<compile_context>
chip_gen: v7x
topology: tpu7x:2x2x1
jax: 0.10.2.dev20260603
libtpu: 0.0.44.dev20260713+nightly
codegen_flags: <defaults>
</compile_context>

<pallas_src>
import functools

import jax
import jax.numpy as jnp
import numpy as np
from jax import lax
from jax.experimental import pallas as pl
from jax.experimental.pallas import tpu as pltpu
from jax.experimental.pallas import tpu_sc as plsc

_INTERPRET = False

HD = 64
_PAR = pltpu.CompilerParams(dimension_semantics=("arbitrary",))


def _ln_f32(x, s, b):
    m = jnp.mean(x, axis=-1, keepdims=True)
    v = jnp.mean((x - m) ** 2, axis=-1, keepdims=True)
    return (x - m) * lax.rsqrt(v + 1e-5) * s + b



def _gather_body(idx_ref, emb_ref, out_ref):
    out_ref[...] = emb_ref[...]


def _granule_body(idx_ref, *refs):
    out_ref = refs[-1]
    i = pl.program_id(0)
    for j in range(8):
        g = refs[j][0]
        r = idx_ref[8 * i + j] & 7
        mask = (lax.broadcasted_iota(jnp.int32, (8, 1), 0) == r).astype(g.dtype)
        out_ref[0, j, :] = jnp.sum(g * mask, axis=0)


def _gather_dma_body(idx_ref, emb_ref, out_ref, buf_ref, sem, *, BT):
    p = pl.program_id(0)
    base = p * BT

    def issue(t, c):
        g = idx_ref[base + t] >> 3
        pltpu.make_async_copy(emb_ref.at[pl.ds(g * 8, 8), :],
                              buf_ref.at[t], sem).start()
        return c

    lax.fori_loop(0, BT, issue, 0)
    sel = lax.broadcasted_iota(jnp.int32, (8, 1), 0)

    def drain(t, c):
        pltpu.make_async_copy(emb_ref.at[pl.ds(0, 8), :],
                              buf_ref.at[t], sem).wait()
        r = idx_ref[base + t] & 7
        g = buf_ref[t]
        mask = (sel == r).astype(g.dtype)
        out_ref[pl.ds(t, 1), :] = jnp.sum(g * mask, axis=0, keepdims=True)
        return c

    lax.fori_loop(0, BT, drain, 0)


def _gather_dma(emb, idx, S, D):
    BT = 256
    NP = S // BT
    grid_spec = pltpu.PrefetchScalarGridSpec(
        num_scalar_prefetch=1,
        grid=(NP,),
        in_specs=[pl.BlockSpec(memory_space=pl.ANY)],
        out_specs=pl.BlockSpec((BT, D), lambda i, idx_ref: (i, 0)),
        scratch_shapes=[
            pltpu.VMEM((BT, 8, D), jnp.float32),
            pltpu.SemaphoreType.DMA,
        ],
    )
    return pl.pallas_call(
        functools.partial(_gather_dma_body, BT=BT),
        grid_spec=grid_spec,
        out_shape=jax.ShapeDtypeStruct((S, D), jnp.float32),
        interpret=_INTERPRET,
    )(idx, emb)


def _gather_tc_granule(emb, idx, S, D):
    V = emb.shape[0]
    emb3 = emb.reshape(V // 8, 8, D)
    NT = S // 8

    def gmap(j):
        return lambda i, idx_ref: (idx_ref[8 * i + j] >> 3, 0, 0)

    grid_spec = pltpu.PrefetchScalarGridSpec(
        num_scalar_prefetch=1,
        grid=(NT,),
        in_specs=[pl.BlockSpec((1, 8, D), gmap(j)) for j in range(8)],
        out_specs=pl.BlockSpec((1, 8, D), lambda i, idx_ref: (i, 0, 0)),
    )
    out = pl.pallas_call(
        _granule_body,
        grid_spec=grid_spec,
        out_shape=jax.ShapeDtypeStruct((NT, 8, D), jnp.float32),
        interpret=_INTERPRET,
    )(idx, *([emb3] * 8))
    return out.reshape(S, D)


def _gather_tc(emb, idx, S, D):
    V = emb.shape[0]
    emb3 = emb.reshape(V, 1, D)
    grid_spec = pltpu.PrefetchScalarGridSpec(
        num_scalar_prefetch=1,
        grid=(S,),
        in_specs=[pl.BlockSpec((1, 1, D), lambda i, idx_ref: (idx_ref[i], 0, 0))],
        out_specs=pl.BlockSpec((1, 1, D), lambda i, idx_ref: (i, 0, 0)),
    )
    out = pl.pallas_call(
        _gather_body,
        grid_spec=grid_spec,
        out_shape=jax.ShapeDtypeStruct((S, 1, D), jnp.float32),
        interpret=_INTERPRET,
    )(idx, emb3)
    return out.reshape(S, D)


def _gather_sc(emb, idx, S, D):
    info = plsc.get_sparse_core_info()
    NC, NS = info.num_cores, info.num_subcores
    NW = NC * NS
    b_per_w = S // NW
    mesh = plsc.VectorSubcoreMesh(core_axis_name="c", subcore_axis_name="s")

    @functools.partial(
        pl.kernel, mesh=mesh,
        out_type=jax.ShapeDtypeStruct((S, D), jnp.float32),
        scratch_types=[
            pltpu.VMEM((b_per_w,), jnp.int32),
            pltpu.VMEM((b_per_w, D), jnp.float32),
            pltpu.SemaphoreType.DMA,
        ],
        compiler_params=pltpu.CompilerParams(use_tc_tiling_on_sc=True),
    )
    def sc_gather(table_hbm, idx_hbm, out_hbm, idx_v, rows_v, sem):
        wid = lax.axis_index("s") * NC + lax.axis_index("c")
        base = wid * b_per_w
        pltpu.sync_copy(idx_hbm.at[pl.ds(base, b_per_w)], idx_v)
        pltpu.async_copy(table_hbm.at[idx_v], rows_v, sem).wait()
        pltpu.sync_copy(rows_v, out_hbm.at[pl.ds(base, b_per_w)])

    return sc_gather(emb, idx)



def _qkv_body(h_ref, s_ref, b_ref, w_ref, bqkv_ref, qkv_ref):
    hn = _ln_f32(h_ref[...], s_ref[...], b_ref[...])
    acc = jnp.dot(hn.astype(jnp.bfloat16), w_ref[...],
                  preferred_element_type=jnp.float32)
    qkv_ref[...] = (acc + bqkv_ref[...]).astype(jnp.bfloat16)


def _attn_body(q_ref, k_ref, v_ref, o_ref, *, BQ, S, H):
    i = pl.program_id(0)
    scale = 1.0 / np.sqrt(HD)
    rows = lax.broadcasted_iota(jnp.int32, (BQ, BQ), 0)
    cols = lax.broadcasted_iota(jnp.int32, (BQ, BQ), 1)
    diag_mask = rows >= cols
    for h in range(H):
        q = q_ref[:, h * HD:(h + 1) * HD]

        def body(j, carry):
            m, l, acc = carry
            kj = k_ref[pl.ds(j * BQ, BQ), h * HD:(h + 1) * HD]
            vj = v_ref[pl.ds(j * BQ, BQ), h * HD:(h + 1) * HD]
            sc = lax.dot_general(q, kj, (((1,), (1,)), ((), ())),
                                 preferred_element_type=jnp.float32) * scale
            sc = jnp.where(jnp.logical_or(j < i, diag_mask), sc, -1e9)
            m_new = jnp.maximum(m, jnp.max(sc, axis=-1, keepdims=True))
            alpha = jnp.exp(m - m_new)
            p = jnp.exp(sc - m_new)
            l = l * alpha + jnp.sum(p, axis=-1, keepdims=True)
            acc = acc * alpha + jnp.dot(p.astype(jnp.bfloat16), vj,
                                        preferred_element_type=jnp.float32)
            return m_new, l, acc

        m0 = jnp.full((BQ, 1), -1e30, jnp.float32)
        l0 = jnp.zeros((BQ, 1), jnp.float32)
        a0 = jnp.zeros((BQ, HD), jnp.float32)
        _, l, acc = lax.fori_loop(0, i + 1, body, (m0, l0, a0))
        o = acc * (1.0 / l)
        o_ref[:, h * HD:(h + 1) * HD] = o.astype(jnp.bfloat16)


def _post_body(o_ref, h_ref, wo_ref, bo_ref, s2_ref, b2ln_ref,
               w1_ref, b1_ref, w2_ref, b2_ref, out_ref, out_bf_ref):
    h = h_ref[...] + jnp.dot(o_ref[...], wo_ref[...],
                             preferred_element_type=jnp.float32) + bo_ref[...]
    hn2 = _ln_f32(h, s2_ref[...], b2ln_ref[...])
    ff = jnp.dot(hn2.astype(jnp.bfloat16), w1_ref[...],
                 preferred_element_type=jnp.float32) + b1_ref[...]
    ff = jax.nn.gelu(ff)
    out = h + jnp.dot(ff.astype(jnp.bfloat16), w2_ref[...],
                      preferred_element_type=jnp.float32) + b2_ref[...]
    out_ref[...] = out
    out_bf_ref[...] = out.astype(jnp.bfloat16)


def _head_body(h_ref, w_ref, o_ref):
    o_ref[...] = lax.dot_general(w_ref[...].astype(jnp.bfloat16), h_ref[...],
                                 (((1,), (1,)), ((), ())),
                                 preferred_element_type=jnp.float32)


def _layer(h, s1, b1ln, wqkv_bf, bqkv, wo_bf, bo, s2, b2ln,
           w1_bf, b1, w2_bf, b2, S, D, H, BS):
    NB = S // BS
    F = w1_bf.shape[1]
    qkv = pl.pallas_call(
        _qkv_body,
        grid=(NB,),
        in_specs=[
            pl.BlockSpec((BS, D), lambda i: (i, 0)),
            pl.BlockSpec((1, D), lambda i: (0, 0)),
            pl.BlockSpec((1, D), lambda i: (0, 0)),
            pl.BlockSpec((D, 3 * D), lambda i: (0, 0)),
            pl.BlockSpec((1, 3 * D), lambda i: (0, 0)),
        ],
        out_specs=pl.BlockSpec((BS, 3 * D), lambda i: (i, 0)),
        out_shape=jax.ShapeDtypeStruct((S, 3 * D), jnp.bfloat16),
        compiler_params=_PAR,
        interpret=_INTERPRET,
    )(h, s1, b1ln, wqkv_bf, bqkv)

    o = pl.pallas_call(
        functools.partial(_attn_body, BQ=BS, S=S, H=H),
        grid=(NB,),
        in_specs=[
            pl.BlockSpec((BS, D), lambda i: (i, 0)),
            pl.BlockSpec((S, D), lambda i: (0, 1)),
            pl.BlockSpec((S, D), lambda i: (0, 2)),
        ],
        out_specs=pl.BlockSpec((BS, D), lambda i: (i, 0)),
        out_shape=jax.ShapeDtypeStruct((S, D), jnp.bfloat16),
        compiler_params=_PAR,
        interpret=_INTERPRET,
    )(qkv, qkv, qkv)

    h = pl.pallas_call(
        _post_body,
        grid=(NB,),
        in_specs=[
            pl.BlockSpec((BS, D), lambda i: (i, 0)),
            pl.BlockSpec((BS, D), lambda i: (i, 0)),
            pl.BlockSpec((D, D), lambda i: (0, 0)),
            pl.BlockSpec((1, D), lambda i: (0, 0)),
            pl.BlockSpec((1, D), lambda i: (0, 0)),
            pl.BlockSpec((1, D), lambda i: (0, 0)),
            pl.BlockSpec((D, F), lambda i: (0, 0)),
            pl.BlockSpec((1, F), lambda i: (0, 0)),
            pl.BlockSpec((F, D), lambda i: (0, 0)),
            pl.BlockSpec((1, D), lambda i: (0, 0)),
        ],
        out_specs=[pl.BlockSpec((BS, D), lambda i: (i, 0)),
                   pl.BlockSpec((BS, D), lambda i: (i, 0))],
        out_shape=[jax.ShapeDtypeStruct((S, D), jnp.float32),
                   jax.ShapeDtypeStruct((S, D), jnp.bfloat16)],
        compiler_params=_PAR,
        interpret=_INTERPRET,
    )(o, h, wo_bf, bo, s2, b2ln, w1_bf, b1, w2_bf, b2)
    return h[0], h[1]


def kernel(x, emb, ln1_s, ln1_b, wqkv, bqkv, wo, bo, ln2_s, ln2_b,
           w1, b1, w2, b2, w_out):
    B, S = x.shape
    V, D = emb.shape
    L = wqkv.shape[0]
    H = D // HD
    BS = 256
    VB = 1000

    idx = x.reshape(S).astype(jnp.int32)
    h = _gather_sc(emb, idx, S, D)

    bf = jnp.bfloat16
    h_bf = None
    for l in range(L):
        h, h_bf = _layer(
            h,
            ln1_s[l].reshape(1, D), ln1_b[l].reshape(1, D),
            wqkv[l].astype(bf), bqkv[l].reshape(1, 3 * D),
            wo[l].astype(bf), bo[l].reshape(1, D),
            ln2_s[l].reshape(1, D), ln2_b[l].reshape(1, D),
            w1[l].astype(bf), b1[l].reshape(1, -1),
            w2[l].astype(bf), b2[l].reshape(1, D),
            S, D, H, BS,
        )

    NV = (V + VB - 1) // VB
    logits_t = pl.pallas_call(
        _head_body,
        grid=(NV,),
        in_specs=[
            pl.BlockSpec((S, D), lambda j: (0, 0)),
            pl.BlockSpec((VB, D), lambda j: (j, 0)),
        ],
        out_specs=pl.BlockSpec((VB, S), lambda j: (j, 0)),
        out_shape=jax.ShapeDtypeStruct((V, S), jnp.float32),
        compiler_params=_PAR,
        interpret=_INTERPRET,
    )(h_bf, w_out)
    return logits_t.T.reshape(B, S, V)

# --- scband reference (transcript-rebuilt; emitter-appended) ---
"""Pipeline reference for scband-legotransformer-30030411333982 (READ-ONLY COPY).

The authoritative reference and input builder live on the scoring server;
editing this copy changes nothing except your own understanding.
"""

import jax, jax.numpy as jnp
import numpy as np

B, S, D, H, HD, L, F, V = 1, 2048, 768, 12, 64, 2, 3072, 100000


def _ln(x, s, b):
    m = jnp.mean(x, axis=-1, keepdims=True)
    v = jnp.var(x, axis=-1, keepdims=True)
    return (x - m) / jnp.sqrt(v + 1e-5) * s + b


def setup_inputs(seed: int = 0) -> dict:
    key = jax.random.key(seed)
    ks = jax.random.split(key, 10)
    x = jax.random.randint(ks[0], (B, S), 0, V)
    emb = 0.02 * jax.random.normal(ks[1], (V, D), dtype=jnp.float32)
    ln1_s = jnp.ones((L, D), jnp.float32)
    ln1_b = jnp.zeros((L, D), jnp.float32)
    wqkv = 0.02 * jax.random.normal(ks[2], (L, D, 3 * D), dtype=jnp.float32)
    bqkv = jnp.zeros((L, 3 * D), jnp.float32)
    wo = 0.02 * jax.random.normal(ks[3], (L, D, D), dtype=jnp.float32)
    bo = jnp.zeros((L, D), jnp.float32)
    ln2_s = jnp.ones((L, D), jnp.float32)
    ln2_b = jnp.zeros((L, D), jnp.float32)
    w1 = 0.02 * jax.random.normal(ks[4], (L, D, F), dtype=jnp.float32)
    b1 = jnp.zeros((L, F), jnp.float32)
    w2 = 0.02 * jax.random.normal(ks[5], (L, F, D), dtype=jnp.float32)
    b2 = jnp.zeros((L, D), jnp.float32)
    w_out = (1.0 / np.sqrt(D)) * jax.random.normal(ks[6], (V, D), dtype=jnp.float32)
    return {"x": x, "emb": emb, "ln1_s": ln1_s, "ln1_b": ln1_b, "wqkv": wqkv,
            "bqkv": bqkv, "wo": wo, "bo": bo, "ln2_s": ln2_s, "ln2_b": ln2_b,
            "w1": w1, "b1": b1, "w2": w2, "b2": b2, "w_out": w_out}


def reference(x, emb, ln1_s, ln1_b, wqkv, bqkv, wo, bo, ln2_s, ln2_b, w1, b1, w2, b2, w_out):
    # h = embedding(x)
    h = jnp.take(emb, x, axis=0)  # (B, S, D) gather
    mask = jnp.tril(jnp.ones((S, S), dtype=bool))
    # LEGOBlock standard forward: num_layers pre-LN transformer layers
    for l in range(L):
        hn = _ln(h, ln1_s[l], ln1_b[l])
        qkv = hn @ wqkv[l] + bqkv[l]
        q, k, v = jnp.split(qkv, 3, axis=-1)
        q = q.reshape(B, S, H, HD).transpose(0, 2, 1, 3)
        k = k.reshape(B, S, H, HD).transpose(0, 2, 1, 3)
        v = v.reshape(B, S, H, HD).transpose(0, 2, 1, 3)
        sc = (q @ k.transpose(0, 1, 3, 2)) / np.sqrt(HD)
        sc = jnp.where(mask, sc, -1e9)
        a = jax.nn.softmax(sc, axis=-1)
        o = (a @ v).transpose(0, 2, 1, 3).reshape(B, S, D)
        h = h + o @ wo[l] + bo[l]
        hn2 = _ln(h, ln2_s[l], ln2_b[l])
        h = h + jax.nn.gelu(hn2 @ w1[l] + b1[l]) @ w2[l] + b2[l]
    # shared output head (bias-free linear)
    logits = h @ w_out.T  # (B, S, V)
    return logits

if __name__ == "__main__":
    import jax
    _d = setup_inputs()
    print(jax.jit(kernel)(*tuple(_d.values())))

</pallas_src>

<mosaic_0001>
#map = affine_map<(d0, d1) -> (0, 0)>
#map1 = affine_map<(d0, d1) -> (0)>
module attributes {stable_mosaic.version = 14 : i64} {
  func.func @sc_gather(%arg0: i32, %arg1: i32, %arg2: memref<100000x768xf32, #tpu.memory_space<hbm>>, %arg3: memref<2048xi32, #tpu.memory_space<hbm>>, %arg4: memref<2048x768xf32, #tpu.memory_space<hbm>>, %arg5: memref<64xi32, #tpu.memory_space<vmem>>, %arg6: memref<64x768xf32, #tpu.memory_space<vmem>>, %arg7: memref<!tpu.dma_semaphore, #tpu.memory_space<semaphore_mem>>) attributes {dimension_semantics = [#tpu.dimension_semantics<core_parallel>, #tpu.dimension_semantics<subcore_parallel>], iteration_bounds = array<i64: 2, 16>, scalar_prefetch = 0 : i64, scratch_operands = 3 : i64, tpu.core_type = #tpu.core_type<sc_vector_subcore>, window_params = [{transform_indices = #map}, {transform_indices = #map1}, {transform_indices = #map}]} {
    %mul3A = arith.constant 2 : i32
    %mul3A_0 = arith.muli %arg1, %mul3A : i32
    %add3A = arith.addi %mul3A_0, %arg0 : i32
    %mul3A_1 = arith.constant 64 : i32
    %mul3A_2 = arith.muli %add3A, %mul3A_1 : i32
    "tpu.region"() ({
      %run_scoped3A = tpu.sem_alloc : memref<!tpu.dma_semaphore, #tpu.memory_space<semaphore_mem>>
      %dma_start3A_7 = tpu.memref_slice %arg3[%mul3A_2] : memref<2048xi32, #tpu.memory_space<hbm>> -> memref<64xi32, #tpu.memory_space<hbm>>
      %dma_start3A_8 = tpu.memref_slice %arg3[%mul3A_2] : memref<2048xi32, #tpu.memory_space<hbm>> -> memref<64xi32, #tpu.memory_space<hbm>>
      tpu.enqueue_dma source(%dma_start3A_8 : memref<64xi32, #tpu.memory_space<hbm>>) target(%arg5 : memref<64xi32, #tpu.memory_space<vmem>>) target_semaphore(%run_scoped3A : memref<!tpu.dma_semaphore, #tpu.memory_space<semaphore_mem>>)
      %dma_wait3A_9 = tpu.memref_slice %arg3[%mul3A_2] : memref<2048xi32, #tpu.memory_space<hbm>> -> memref<64xi32, #tpu.memory_space<hbm>>
      %dma_wait3A_10 = tpu.memref_slice %arg3[%mul3A_2] : memref<2048xi32, #tpu.memory_space<hbm>> -> memref<64xi32, #tpu.memory_space<hbm>>
      tpu.wait_dma2 semaphore(%run_scoped3A : memref<!tpu.dma_semaphore, #tpu.memory_space<semaphore_mem>>) src(%dma_wait3A_10 : memref<64xi32, #tpu.memory_space<hbm>>) dst(%arg5 : memref<64xi32, #tpu.memory_space<vmem>>)
      tpu.yield
    }) : () -> ()
    %dma_start3A = arith.constant 0 : i32
    %dma_start3A_3 = arith.constant 0 : i32
    %dma_start3A_4 = tpu.memref_slice %arg2[%dma_start3A, %dma_start3A_3] : memref<100000x768xf32, #tpu.memory_space<hbm>> -> memref<100000x768xf32, #tpu.memory_space<hbm>>
    tpu.enqueue_indirect_dma source(%dma_start3A_4 : memref<100000x768xf32, #tpu.memory_space<hbm>>) target(%arg6 : memref<64x768xf32, #tpu.memory_space<vmem>>) offsets(%arg5 : memref<64xi32, #tpu.memory_space<vmem>>) semaphore(%arg7 : memref<!tpu.dma_semaphore, #tpu.memory_space<semaphore_mem>>)
    %dma_wait3A = arith.constant 0 : i32
    %dma_wait3A_5 = arith.constant 0 : i32
    %dma_wait3A_6 = tpu.memref_slice %arg2[%dma_wait3A, %dma_wait3A_5] : memref<100000x768xf32, #tpu.memory_space<hbm>> -> memref<100000x768xf32, #tpu.memory_space<hbm>>
    tpu.wait_indirect_dma semaphore(%arg7 : memref<!tpu.dma_semaphore, #tpu.memory_space<semaphore_mem>>) src(%dma_wait3A_6 : memref<100000x768xf32, #tpu.memory_space<hbm>>) dst(%arg6 : memref<64x768xf32, #tpu.memory_space<vmem>>)
    "tpu.region"() ({
      %run_scoped3A = tpu.sem_alloc : memref<!tpu.dma_semaphore, #tpu.memory_space<semaphore_mem>>
      %dma_start3A_7 = arith.constant 0 : i32
      %dma_start3A_8 = tpu.memref_slice %arg4[%mul3A_2, %dma_start3A_7] : memref<2048x768xf32, #tpu.memory_space<hbm>> -> memref<64x768xf32, #tpu.memory_space<hbm>>
      %dma_start3A_9 = arith.constant 0 : i32
      %dma_start3A_10 = tpu.memref_slice %arg4[%mul3A_2, %dma_start3A_9] : memref<2048x768xf32, #tpu.memory_space<hbm>> -> memref<64x768xf32, #tpu.memory_space<hbm>>
      tpu.enqueue_dma source(%arg6 : memref<64x768xf32, #tpu.memory_space<vmem>>) target(%dma_start3A_10 : memref<64x768xf32, #tpu.memory_space<hbm>>) target_semaphore(%run_scoped3A : memref<!tpu.dma_semaphore, #tpu.memory_space<semaphore_mem>>)
      %dma_wait3A_11 = arith.constant 0 : i32
      %dma_wait3A_12 = tpu.memref_slice %arg4[%mul3A_2, %dma_wait3A_11] : memref<2048x768xf32, #tpu.memory_space<hbm>> -> memref<64x768xf32, #tpu.memory_space<hbm>>
      %dma_wait3A_13 = arith.constant 0 : i32
      %dma_wait3A_14 = tpu.memref_slice %arg4[%mul3A_2, %dma_wait3A_13] : memref<2048x768xf32, #tpu.memory_space<hbm>> -> memref<64x768xf32, #tpu.memory_space<hbm>>
      tpu.wait_dma2 semaphore(%run_scoped3A : memref<!tpu.dma_semaphore, #tpu.memory_space<semaphore_mem>>) src(%arg6 : memref<64x768xf32, #tpu.memory_space<vmem>>) dst(%dma_wait3A_14 : memref<64x768xf32, #tpu.memory_space<hbm>>)
      tpu.yield
    }) : () -> ()
    return
  }
}

module attributes {stable_mosaic.version = 14 : i64} {
  func.func @_qkv_body(%arg0: i32, %arg1: memref<256x768xf32, #tpu.memory_space<vmem>>, %arg2: memref<1x768xf32, #tpu.memory_space<vmem>>, %arg3: memref<1x768xf32, #tpu.memory_space<vmem>>, %arg4: memref<768x2304xbf16, #tpu.memory_space<vmem>>, %arg5: memref<1x2304xf32, #tpu.memory_space<vmem>>, %arg6: memref<256x2304xbf16, #tpu.memory_space<vmem>>) attributes {dimension_semantics = [#tpu.dimension_semantics<arbitrary>], iteration_bounds = array<i64: 8>, scalar_prefetch = 0 : i64, scratch_operands = 0 : i64, tpu.core_type = #tpu.core_type<tc>, window_params = [{transform_indices = @transform_0, window_bounds = array<i64: 256, 768>}, {pipeline_mode = #tpu.pipeline_mode<synchronous>, transform_indices = @transform_1, window_bounds = array<i64: 1, 768>}, {pipeline_mode = #tpu.pipeline_mode<synchronous>, transform_indices = @transform_2, window_bounds = array<i64: 1, 768>}, {pipeline_mode = #tpu.pipeline_mode<synchronous>, transform_indices = @transform_3, window_bounds = array<i64: 768, 2304>}, {pipeline_mode = #tpu.pipeline_mode<synchronous>, transform_indices = @transform_4, window_bounds = array<i64: 1, 2304>}, {transform_indices = @transform_5, window_bounds = array<i64: 256, 2304>}]} {
    %get3A = arith.constant 0 : index
    %get3A_0 = arith.constant 0 : index
    %get3A_1 = vector.load %arg1[%get3A, %get3A_0] : memref<256x768xf32, #tpu.memory_space<vmem>>, vector<256x768xf32>
    %get3A_2 = arith.constant 0 : index
    %get3A_3 = arith.constant 0 : index
    %get3A_4 = vector.load %arg2[%get3A_2, %get3A_3] : memref<1x768xf32, #tpu.memory_space<vmem>>, vector<1x768xf32>
    %get3A_5 = arith.constant 0 : index
    %get3A_6 = arith.constant 0 : index
    %get3A_7 = vector.load %arg3[%get3A_5, %get3A_6] : memref<1x768xf32, #tpu.memory_space<vmem>>, vector<1x768xf32>
    %reduce_sum3A = arith.constant dense<0.000000e+00> : vector<256xf32>
    %reduce_sum3A_8 = vector.multi_reduction <add>, %get3A_1, %reduce_sum3A [1] : vector<256x768xf32> to vector<256xf32>
    %broadcast_in_dim3A = vector.shape_cast %reduce_sum3A_8 : vector<256xf32> to vector<256x1xf32>
    %div3A = arith.constant 7.680000e+02 : f32
    %div3A_9 = vector.broadcast %div3A : f32 to vector<256x1xf32>
    %div3A_10 = arith.divf %broadcast_in_dim3A, %div3A_9 : vector<256x1xf32>
    %sub3A = vector.broadcast %div3A_10 : vector<256x1xf32> to vector<256x768xf32>
    %sub3A_11 = arith.subf %get3A_1, %sub3A : vector<256x768xf32>
    %integer_pow3A = arith.mulf %sub3A_11, %sub3A_11 : vector<256x768xf32>
    %reduce_sum3A_12 = arith.constant dense<0.000000e+00> : vector<256xf32>
    %reduce_sum3A_13 = vector.multi_reduction <add>, %integer_pow3A, %reduce_sum3A_12 [1] : vector<256x768xf32> to vector<256xf32>
    %broadcast_in_dim3A_14 = vector.shape_cast %reduce_sum3A_13 : vector<256xf32> to vector<256x1xf32>
    %div3A_15 = arith.constant 7.680000e+02 : f32
    %div3A_16 = vector.broadcast %div3A_15 : f32 to vector<256x1xf32>
    %div3A_17 = arith.divf %broadcast_in_dim3A_14, %div3A_16 : vector<256x1xf32>
    %sub3A_18 = vector.broadcast %div3A_10 : vector<256x1xf32> to vector<256x768xf32>
    %sub3A_19 = arith.subf %get3A_1, %sub3A_18 : vector<256x768xf32>
    %add3A = arith.constant 9.99999974E-6 : f32
    %add3A_20 = vector.broadcast %add3A : f32 to vector<256x1xf32>
    %add3A_21 = arith.addf %div3A_17, %add3A_20 : vector<256x1xf32>
    %rsqrt3A = math.rsqrt %add3A_21 : vector<256x1xf32>
    %mul3A = vector.broadcast %rsqrt3A : vector<256x1xf32> to vector<256x768xf32>
    %mul3A_22 = arith.mulf %sub3A_19, %mul3A : vector<256x768xf32>
    %mul3A_23 = vector.broadcast %get3A_4 : vector<1x768xf32> to vector<256x768xf32>
    %mul3A_24 = arith.mulf %mul3A_22, %mul3A_23 : vector<256x768xf32>
    %add3A_25 = vector.broadcast %get3A_7 : vector<1x768xf32> to vector<256x768xf32>
    %add3A_26 = arith.addf %mul3A_24, %add3A_25 : vector<256x768xf32>
    %convert_element_type3A = arith.truncf %add3A_26 : vector<256x768xf32> to vector<256x768xbf16>
    %get3A_27 = arith.constant 0 : index
    %get3A_28 = arith.constant 0 : index
    %get3A_29 = vector.load %arg4[%get3A_27, %get3A_28] : memref<768x2304xbf16, #tpu.memory_space<vmem>>, vector<768x2304xbf16>
    %dot_general3A = arith.constant dense<0.000000e+00> : vector<256x2304xf32>
    %dot_general3A_30 = tpu.matmul %convert_element_type3A, %get3A_29, %dot_general3A {dimension_numbers = #tpu.dot_dimension_numbers<[1], [0], [0], [1], [0, 0, 1, 1], [], []>, transpose_lhs_hint = false} : vector<256x768xbf16>, vector<768x2304xbf16>, vector<256x2304xf32> -> vector<256x2304xf32>
    %get3A_31 = arith.constant 0 : index
    %get3A_32 = arith.constant 0 : index
    %get3A_33 = vector.load %arg5[%get3A_31, %get3A_32] : memref<1x2304xf32, #tpu.memory_space<vmem>>, vector<1x2304xf32>
    %add3A_34 = vector.broadcast %get3A_33 : vector<1x2304xf32> to vector<256x2304xf32>
    %add3A_35 = arith.addf %dot_general3A_30, %add3A_34 : vector<256x2304xf32>
    %convert_element_type3A_36 = arith.truncf %add3A_35 : vector<256x2304xf32> to vector<256x2304xbf16>
    %swap3A = arith.constant 0 : index
    %swap3A_37 = arith.constant 0 : index
    %swap3A_38 = vector.load %arg6[%swap3A, %swap3A_37] : memref<256x2304xbf16, #tpu.memory_space<vmem>>, vector<256x2304xbf16>
    tpu.vector_store %arg6[%swap3A, %swap3A_37], %convert_element_type3A_36 {strides = array<i32>} : memref<256x2304xbf16, #tpu.memory_space<vmem>>, vector<256x2304xbf16>,
    return
  }
  func.func @transform_0(%arg0: i32) -> (i32, i32) {
    %c0_i32 = arith.constant 0 : i32
    %c0_i32_0 = arith.constant 0 : i32
    return %arg0, %c0_i32 : i32, i32
  }
  func.func @transform_1(%arg0: i32) -> (i32, i32) {
    %c0_i32 = arith.constant 0 : i32
    %c0_i32_0 = arith.constant 0 : i32
    %c0_i32_1 = arith.constant 0 : i32
    return %c0_i32, %c0_i32_0 : i32, i32
  }
  func.func @transform_2(%arg0: i32) -> (i32, i32) {
    %c0_i32 = arith.constant 0 : i32
    %c0_i32_0 = arith.constant 0 : i32
    %c0_i32_1 = arith.constant 0 : i32
    return %c0_i32, %c0_i32_0 : i32, i32
  }
  func.func @transform_3(%arg0: i32) -> (i32, i32) {
    %c0_i32 = arith.constant 0 : i32
    %c0_i32_0 = arith.constant 0 : i32
    %c0_i32_1 = arith.constant 0 : i32
    return %c0_i32, %c0_i32_0 : i32, i32
  }
  func.func @transform_4(%arg0: i32) -> (i32, i32) {
    %c0_i32 = arith.constant 0 : i32
    %c0_i32_0 = arith.constant 0 : i32
    %c0_i32_1 = arith.constant 0 : i32
    return %c0_i32, %c0_i32_0 : i32, i32
  }
  func.func @transform_5(%arg0: i32) -> (i32, i32) {
    %c0_i32 = arith.constant 0 : i32
    %c0_i32_0 = arith.constant 0 : i32
    return %arg0, %c0_i32 : i32, i32
  }
}

module attributes {stable_mosaic.version = 14 : i64} {
  func.func @_attn_body(%arg0: i32, %arg1: memref<256x768xbf16, #tpu.memory_space<vmem>>, %arg2: memref<2048x768xbf16, #tpu.memory_space<vmem>>, %arg3: memref<2048x768xbf16, #tpu.memory_space<vmem>>, %arg4: memref<256x768xbf16, #tpu.memory_space<vmem>>) attributes {dimension_semantics = [#tpu.dimension_semantics<arbitrary>], iteration_bounds = array<i64: 8>, scalar_prefetch = 0 : i64, scratch_operands = 0 : i64, tpu.core_type = #tpu.core_type<tc>, window_params = [{transform_indices = @transform_0, window_bounds = array<i64: 256, 768>}, {transform_indices = @transform_1, window_bounds = array<i64: 2048, 768>}, {transform_indices = @transform_2, window_bounds = array<i64: 2048, 768>}, {transform_indices = @transform_3, window_bounds = array<i64: 256, 768>}]} {
    %iota3A = tpu.iota {dimensions = array<i32: 0>} : vector<256x256xi32>
    %iota3A_0 = tpu.iota {dimensions = array<i32: 1>} : vector<256x256xi32>
    %ge3A = arith.cmpi sge, %iota3A, %iota3A_0 : vector<256x256xi32>
    %get3A = arith.constant 0 : index
    %get3A_1 = arith.constant 0 : index
    %get3A_2 = vector.load %arg1[%get3A, %get3A_1] : memref<256x768xbf16, #tpu.memory_space<vmem>>, vector<256x64xbf16>
    %broadcast_in_dim3A = arith.constant -1.000000e+30 : f32
    %broadcast_in_dim3A_3 = vector.broadcast %broadcast_in_dim3A : f32 to vector<256x1xf32>
    %broadcast_in_dim3A_4 = arith.constant 0.000000e+00 : f32
    %broadcast_in_dim3A_5 = vector.broadcast %broadcast_in_dim3A_4 : f32 to vector<256x1xf32>
    %broadcast_in_dim3A_6 = arith.constant 0.000000e+00 : f32
    %broadcast_in_dim3A_7 = vector.broadcast %broadcast_in_dim3A_6 : f32 to vector<256x64xf32>
    %add3A = arith.constant 1 : i32
    %add3A_8 = arith.addi %arg0, %add3A : i32
    %while3A = arith.constant 0 : i32
    %while3A_9 = arith.subi %add3A_8, %while3A : i32
    %while3A_10 = arith.addi %while3A, %while3A_9 : i32
    %while3A_11 = arith.constant 1 : i32
    %while3A_12 = arith.divsi %while3A_9, %while3A_11 : i32
    %while3A_13 = arith.muli %while3A_12, %while3A_11 : i32
    %while3A_14 = arith.addi %while3A, %while3A_13 : i32
    %while3A_15 = arith.constant 1 : i32
    %while3A_16:3 = scf.for %while3A_365 = %while3A to %while3A_14 step %while3A_15 iter_args(%while3A_366 = %broadcast_in_dim3A_3, %while3A_367 = %broadcast_in_dim3A_5, %while3A_368 = %broadcast_in_dim3A_7) -> (vector<256x1xf32>, vector<256x1xf32>, vector<256x64xf32>)  : i32 {
      %mul3A_369 = arith.constant 256 : i32
      %mul3A_370 = arith.muli %while3A_365, %mul3A_369 : i32
      %get3A_371 = arith.index_cast %mul3A_370 : i32 to index
      %get3A_372 = arith.constant 0 : index
      %get3A_373 = vector.load %arg2[%get3A_371, %get3A_372] : memref<2048x768xbf16, #tpu.memory_space<vmem>>, vector<256x64xbf16>
      %mul3A_374 = arith.constant 256 : i32
      %mul3A_375 = arith.muli %while3A_365, %mul3A_374 : i32
      %get3A_376 = arith.index_cast %mul3A_375 : i32 to index
      %get3A_377 = arith.constant 0 : index
      %get3A_378 = vector.load %arg3[%get3A_376, %get3A_377] : memref<2048x768xbf16, #tpu.memory_space<vmem>>, vector<256x64xbf16>
      %dot_general3A = arith.constant dense<0.000000e+00> : vector<256x256xf32>
      %dot_general3A_379 = tpu.matmul %get3A_2, %get3A_373, %dot_general3A {dimension_numbers = #tpu.dot_dimension_numbers<[1], [1], [0], [0], [0, 0, 1, 0], [], []>, transpose_lhs_hint = false} : vector<256x64xbf16>, vector<256x64xbf16>, vector<256x256xf32> -> vector<256x256xf32>
      %mul3A_380 = arith.constant 1.250000e-01 : f32
      %mul3A_381 = vector.broadcast %mul3A_380 : f32 to vector<256x256xf32>
      %mul3A_382 = arith.mulf %dot_general3A_379, %mul3A_381 : vector<256x256xf32>
      %lt3A = arith.cmpi slt, %while3A_365, %arg0 : i32
      %or3A = vector.broadcast %lt3A : i1 to vector<256x256xi1>
      %or3A_383 = arith.ori %or3A, %ge3A : vector<256x256xi1>
      %jit3A = arith.constant -1.000000e+09 : f32
      %broadcast_in_dim3A_384 = vector.broadcast %jit3A : f32 to vector<256x256xf32>
      %select_n3A = arith.select %or3A_383, %mul3A_382, %broadcast_in_dim3A_384 : vector<256x256xi1>, vector<256x256xf32>
      %reduce_max3A = arith.constant dense<0xFF800000> : vector<256xf32>
      %reduce_max3A_385 = vector.multi_reduction <maximumf>, %select_n3A, %reduce_max3A [1] : vector<256x256xf32> to vector<256xf32>
      %broadcast_in_dim3A_386 = vector.shape_cast %reduce_max3A_385 : vector<256xf32> to vector<256x1xf32>
      %max3A = arith.maximumf %while3A_366, %broadcast_in_dim3A_386 : vector<256x1xf32>
      %sub3A = arith.subf %while3A_366, %max3A : vector<256x1xf32>
      %exp3A = math.exp %sub3A : vector<256x1xf32>
      %sub3A_387 = vector.broadcast %max3A : vector<256x1xf32> to vector<256x256xf32>
      %sub3A_388 = arith.subf %select_n3A, %sub3A_387 : vector<256x256xf32>
      %exp3A_389 = math.exp %sub3A_388 : vector<256x256xf32>
      %mul3A_390 = arith.mulf %while3A_367, %exp3A : vector<256x1xf32>
      %reduce_sum3A = arith.constant dense<0.000000e+00> : vector<256xf32>
      %reduce_sum3A_391 = vector.multi_reduction <add>, %exp3A_389, %reduce_sum3A [1] : vector<256x256xf32> to vector<256xf32>
      %broadcast_in_dim3A_392 = vector.shape_cast %reduce_sum3A_391 : vector<256xf32> to vector<256x1xf32>
      %add3A_393 = arith.addf %mul3A_390, %broadcast_in_dim3A_392 : vector<256x1xf32>
      %mul3A_394 = vector.broadcast %exp3A : vector<256x1xf32> to vector<256x64xf32>
      %mul3A_395 = arith.mulf %while3A_368, %mul3A_394 : vector<256x64xf32>
      %convert_element_type3A_396 = arith.truncf %exp3A_389 : vector<256x256xf32> to vector<256x256xbf16>
      %dot_general3A_397 = arith.constant dense<0.000000e+00> : vector<256x64xf32>
      %dot_general3A_398 = tpu.matmul %convert_element_type3A_396, %get3A_378, %dot_general3A_397 {dimension_numbers = #tpu.dot_dimension_numbers<[1], [0], [0], [1], [0, 0, 1, 1], [], []>, transpose_lhs_hint = false} : vector<256x256xbf16>, vector<256x64xbf16>, vector<256x64xf32> -> vector<256x64xf32>
      %add3A_399 = arith.addf %mul3A_395, %dot_general3A_398 : vector<256x64xf32>
      scf.yield %max3A, %add3A_393, %add3A_399 : vector<256x1xf32>, vector<256x1xf32>, vector<256x64xf32>
    }
    %while3A_17 = arith.constant 1 : i32
    %while3A_18:3 = scf.for %while3A_365 = %while3A_14 to %while3A_10 step %while3A_17 iter_args(%while3A_366 = %while3A_16#0, %while3A_367 = %while3A_16#1, %while3A_368 = %while3A_16#2) -> (vector<256x1xf32>, vector<256x1xf32>, vector<256x64xf32>)  : i32 {
      %mul3A_369 = arith.constant 256 : i32
      %mul3A_370 = arith.muli %while3A_365, %mul3A_369 : i32
      %get3A_371 = arith.index_cast %mul3A_370 : i32 to index
      %get3A_372 = arith.constant 0 : index
      %get3A_373 = vector.load %arg2[%get3A_371, %get3A_372] : memref<2048x768xbf16, #tpu.memory_space<vmem>>, vector<256x64xbf16>
      %mul3A_374 = arith.constant 256 : i32
      %mul3A_375 = arith.muli %while3A_365, %mul3A_374 : i32
      %get3A_376 = arith.index_cast %mul3A_375 : i32 to index
      %get3A_377 = arith.constant 0 : index
      %get3A_378 = vector.load %arg3[%get3A_376, %get3A_377] : memref<2048x768xbf16, #tpu.memory_space<vmem>>, vector<256x64xbf16>
      %dot_general3A = arith.constant dense<0.000000e+00> : vector<256x256xf32>
      %dot_general3A_379 = tpu.matmul %get3A_2, %get3A_373, %dot_general3A {dimension_numbers = #tpu.dot_dimension_numbers<[1], [1], [0], [0], [0, 0, 1, 0], [], []>, transpose_lhs_hint = false} : vector<256x64xbf16>, vector<256x64xbf16>, vector<256x256xf32> -> vector<256x256xf32>
      %mul3A_380 = arith.constant 1.250000e-01 : f32
      %mul3A_381 = vector.broadcast %mul3A_380 : f32 to vector<256x256xf32>
      %mul3A_382 = arith.mulf %dot_general3A_379, %mul3A_381 : vector<256x256xf32>
      %lt3A = arith.cmpi slt, %while3A_365, %arg0 : i32
      %or3A = vector.broadcast %lt3A : i1 to vector<256x256xi1>
      %or3A_383 = arith.ori %or3A, %ge3A : vector<256x256xi1>
      %jit3A = arith.constant -1.000000e+09 : f32
      %broadcast_in_dim3A_384 = vector.broadcast %jit3A : f32 to vector<256x256xf32>
      %select_n3A = arith.select %or3A_383, %mul3A_382, %broadcast_in_dim3A_384 : vector<256x256xi1>, vector<256x256xf32>
      %reduce_max3A = arith.constant dense<0xFF800000> : vector<256xf32>
      %reduce_max3A_385 = vector.multi_reduction <maximumf>, %select_n3A, %reduce_max3A [1] : vector<256x256xf32> to vector<256xf32>
      %broadcast_in_dim3A_386 = vector.shape_cast %reduce_max3A_385 : vector<256xf32> to vector<256x1xf32>
      %max3A = arith.maximumf %while3A_366, %broadcast_in_dim3A_386 : vector<256x1xf32>
      %sub3A = arith.subf %while3A_366, %max3A : vector<256x1xf32>
      %exp3A = math.exp %sub3A : vector<256x1xf32>
      %sub3A_387 = vector.broadcast %max3A : vector<256x1xf32> to vector<256x256xf32>
      %sub3A_388 = arith.subf %select_n3A, %sub3A_387 : vector<256x256xf32>
      %exp3A_389 = math.exp %sub3A_388 : vector<256x256xf32>
      %mul3A_390 = arith.mulf %while3A_367, %exp3A : vector<256x1xf32>
      %reduce_sum3A = arith.constant dense<0.000000e+00> : vector<256xf32>
      %reduce_sum3A_391 = vector.multi_reduction <add>, %exp3A_389, %reduce_sum3A [1] : vector<256x256xf32> to vector<256xf32>
      %broadcast_in_dim3A_392 = vector.shape_cast %reduce_sum3A_391 : vector<256xf32> to vector<256x1xf32>
      %add3A_393 = arith.addf %mul3A_390, %broadcast_in_dim3A_392 : vector<256x1xf32>
      %mul3A_394 = vector.broadcast %exp3A : vector<256x1xf32> to vector<256x64xf32>
      %mul3A_395 = arith.mulf %while3A_368, %mul3A_394 : vector<256x64xf32>
      %convert_element_type3A_396 = arith.truncf %exp3A_389 : vector<256x256xf32> to vector<256x256xbf16>
      %dot_general3A_397 = arith.constant dense<0.000000e+00> : vector<256x64xf32>
      %dot_general3A_398 = tpu.matmul %convert_element_type3A_396, %get3A_378, %dot_general3A_397 {dimension_numbers = #tpu.dot_dimension_numbers<[1], [0], [0], [1], [0, 0, 1, 1], [], []>, transpose_lhs_hint = false} : vector<256x256xbf16>, vector<256x64xbf16>, vector<256x64xf32> -> vector<256x64xf32>
      %add3A_399 = arith.addf %mul3A_395, %dot_general3A_398 : vector<256x64xf32>
      scf.yield %max3A, %add3A_393, %add3A_399 : vector<256x1xf32>, vector<256x1xf32>, vector<256x64xf32>
    }
    %div3A = arith.constant 1.000000e+00 : f32
    %div3A_19 = vector.broadcast %div3A : f32 to vector<256x1xf32>
    %div3A_20 = arith.divf %div3A_19, %while3A_18#1 : vector<256x1xf32>
    %mul3A = vector.broadcast %div3A_20 : vector<256x1xf32> to vector<256x64xf32>
    %mul3A_21 = arith.mulf %while3A_18#2, %mul3A : vector<256x64xf32>
    %convert_element_type3A = arith.truncf %mul3A_21 : vector<256x64xf32> to vector<256x64xbf16>
    %swap3A = arith.constant 0 : index
    %swap3A_22 = arith.constant 0 : index
    %swap3A_23 = vector.load %arg4[%swap3A, %swap3A_22] : memref<256x768xbf16, #tpu.memory_space<vmem>>, vector<256x64xbf16>
    tpu.vector_store %arg4[%swap3A, %swap3A_22], %convert_element_type3A {strides = array<i32>} : memref<256x768xbf16, #tpu.memory_space<vmem>>, vector<256x64xbf16>,
    %get3A_24 = arith.constant 0 : index
    %get3A_25 = arith.constant 64 : index
    %get3A_26 = vector.load %arg1[%get3A_24, %get3A_25] : memref<256x768xbf16, #tpu.memory_space<vmem>>, vector<256x64xbf16>
    %broadcast_in_dim3A_27 = arith.constant -1.000000e+30 : f32
    %broadcast_in_dim3A_28 = vector.broadcast %broadcast_in_dim3A_27 : f32 to vector<256x1xf32>
    %broadcast_in_dim3A_29 = arith.constant 0.000000e+00 : f32
    %broadcast_in_dim3A_30 = vector.broadcast %broadcast_in_dim3A_29 : f32 to vector<256x1xf32>
    %broadcast_in_dim3A_31 = arith.constant 0.000000e+00 : f32
    %broadcast_in_dim3A_32 = vector.broadcast %broadcast_in_dim3A_31 : f32 to vector<256x64xf32>
    %add3A_33 = arith.constant 1 : i32
    %add3A_34 = arith.addi %arg0, %add3A_33 : i32
    %while3A_35 = arith.constant 0 : i32
    %while3A_36 = arith.subi %add3A_34, %while3A_35 : i32
    %while3A_37 = arith.addi %while3A_35, %while3A_36 : i32
    %while3A_38 = arith.constant 1 : i32
    %while3A_39 = arith.divsi %while3A_36, %while3A_38 : i32
    %while3A_40 = arith.muli %while3A_39, %while3A_38 : i32
    %while3A_41 = arith.addi %while3A_35, %while3A_40 : i32
    %while3A_42 = arith.constant 1 : i32
    %while3A_43:3 = scf.for %while3A_365 = %while3A_35 to %while3A_41 step %while3A_42 iter_args(%while3A_366 = %broadcast_in_dim3A_28, %while3A_367 = %broadcast_in_dim3A_30, %while3A_368 = %broadcast_in_dim3A_32) -> (vector<256x1xf32>, vector<256x1xf32>, vector<256x64xf32>)  : i32 {
      %mul3A_369 = arith.constant 256 : i32
      %mul3A_370 = arith.muli %while3A_365, %mul3A_369 : i32
      %get3A_371 = arith.index_cast %mul3A_370 : i32 to index
      %get3A_372 = arith.constant 64 : index
      %get3A_373 = vector.load %arg2[%get3A_371, %get3A_372] : memref<2048x768xbf16, #tpu.memory_space<vmem>>, vector<256x64xbf16>
      %mul3A_374 = arith.constant 256 : i32
      %mul3A_375 = arith.muli %while3A_365, %mul3A_374 : i32
      %get3A_376 = arith.index_cast %mul3A_375 : i32 to index
      %get3A_377 = arith.constant 64 : index
      %get3A_378 = vector.load %arg3[%get3A_376, %get3A_377] : memref<2048x768xbf16, #tpu.memory_space<vmem>>, vector<256x64xbf16>
      %dot_general3A = arith.constant dense<0.000000e+00> : vector<256x256xf32>
      %dot_general3A_379 = tpu.matmul %get3A_26, %get3A_373, %dot_general3A {dimension_numbers = #tpu.dot_dimension_numbers<[1], [1], [0], [0], [0, 0, 1, 0], [], []>, transpose_lhs_hint = false} : vector<256x64xbf16>, vector<256x64xbf16>, vector<256x256xf32> -> vector<256x256xf32>
      %mul3A_380 = arith.constant 1.250000e-01 : f32
      %mul3A_381 = vector.broadcast %mul3A_380 : f32 to vector<256x256xf32>
      %mul3A_382 = arith.mulf %dot_general3A_379, %mul3A_381 : vector<256x256xf32>
      %lt3A = arith.cmpi slt, %while3A_365, %arg0 : i32
      %or3A = vector.broadcast %lt3A : i1 to vector<256x256xi1>
      %or3A_383 = arith.ori %or3A, %ge3A : vector<256x256xi1>
      %jit3A = arith.constant -1.000000e+09 : f32
      %broadcast_in_dim3A_384 = vector.broadcast %jit3A : f32 to vector<256x256xf32>
      %select_n3A = arith.select %or3A_383, %mul3A_382, %broadcast_in_dim3A_384 : vector<256x256xi1>, vector<256x256xf32>
      %reduce_max3A = arith.constant dense<0xFF800000> : vector<256xf32>
      %reduce_max3A_385 = vector.multi_reduction <maximumf>, %select_n3A, %reduce_max3A [1] : vector<256x256xf32> to vector<256xf32>
      %broadcast_in_dim3A_386 = vector.shape_cast %reduce_max3A_385 : vector<256xf32> to vector<256x1xf32>
      %max3A = arith.maximumf %while3A_366, %broadcast_in_dim3A_386 : vector<256x1xf32>
      %sub3A = arith.subf %while3A_366, %max3A : vector<256x1xf32>
      %exp3A = math.exp %sub3A : vector<256x1xf32>
      %sub3A_387 = vector.broadcast %max3A : vector<256x1xf32> to vector<256x256xf32>
      %sub3A_388 = arith.subf %select_n3A, %sub3A_387 : vector<256x256xf32>
      %exp3A_389 = math.exp %sub3A_388 : vector<256x256xf32>
      %mul3A_390 = arith.mulf %while3A_367, %exp3A : vector<256x1xf32>
      %reduce_sum3A = arith.constant dense<0.000000e+00> : vector<256xf32>
      %reduce_sum3A_391 = vector.multi_reduction <add>, %exp3A_389, %reduce_sum3A [1] : vector<256x256xf32> to vector<256xf32>
      %broadcast_in_dim3A_392 = vector.shape_cast %reduce_sum3A_391 : vector<256xf32> to vector<256x1xf32>
      %add3A_393 = arith.addf %mul3A_390, %broadcast_in_dim3A_392 : vector<256x1xf32>
      %mul3A_394 = vector.broadcast %exp3A : vector<256x1xf32> to vector<256x64xf32>
      %mul3A_395 = arith.mulf %while3A_368, %mul3A_394 : vector<256x64xf32>
      %convert_element_type3A_396 = arith.truncf %exp3A_389 : vector<256x256xf32> to vector<256x256xbf16>
      %dot_general3A_397 = arith.constant dense<0.000000e+00> : vector<256x64xf32>
      %dot_general3A_398 = tpu.matmul %convert_element_type3A_396, %get3A_378, %dot_general3A_397 {dimension_numbers = #tpu.dot_dimension_numbers<[1], [0], [0], [1], [0, 0, 1, 1], [], []>, transpose_lhs_hint = false} : vector<256x256xbf16>, vector<256x64xbf16>, vector<256x64xf32> -> vector<256x64xf32>
      %add3A_399 = arith.addf %mul3A_395, %dot_general3A_398 : vector<256x64xf32>
      scf.yield %max3A, %add3A_393, %add3A_399 : vector<256x1xf32>, vector<256x1xf32>, vector<256x64xf32>
    }
    %while3A_44 = arith.constant 1 : i32
    %while3A_45:3 = scf.for %while3A_365 = %while3A_41 to %while3A_37 step %while3A_44 iter_args(%while3A_366 = %while3A_43#0, %while3A_367 = %while3A_43#1, %while3A_368 = %while3A_43#2) -> (vector<256x1xf32>, vector<256x1xf32>, vector<256x64xf32>)  : i32 {
      %mul3A_369 = arith.constant 256 : i32
      %mul3A_370 = arith.muli %while3A_365, %mul3A_369 : i32
      %get3A_371 = arith.index_cast %mul3A_370 : i32 to index
      %get3A_372 = arith.constant 64 : index
      %get3A_373 = vector.load %arg2[%get3A_371, %get3A_372] : memref<2048x768xbf16, #tpu.memory_space<vmem>>, vector<256x64xbf16>
      %mul3A_374 = arith.constant 256 : i32
      %mul3A_375 = arith.muli %while3A_365, %mul3A_374 : i32
      %get3A_376 = arith.index_cast %mul3A_375 : i32 to index
      %get3A_377 = arith.constant 64 : index
      %get3A_378 = vector.load %arg3[%get3A_376, %get3A_377] : memref<2048x768xbf16, #tpu.memory_space<vmem>>, vector<256x64xbf16>
      %dot_general3A = arith.constant dense<0.000000e+00> : vector<256x256xf32>
      %dot_general3A_379 = tpu.matmul %get3A_26, %get3A_373, %dot_general3A {dimension_numbers = #tpu.dot_dimension_numbers<[1], [1], [0], [0], [0, 0, 1, 0], [], []>, transpose_lhs_hint = false} : vector<256x64xbf16>, vector<256x64xbf16>, vector<256x256xf32> -> vector<256x256xf32>
      %mul3A_380 = arith.constant 1.250000e-01 : f32
      %mul3A_381 = vector.broadcast %mul3A_380 : f32 to vector<256x256xf32>
      %mul3A_382 = arith.mulf %dot_general3A_379, %mul3A_381 : vector<256x256xf32>
      %lt3A = arith.cmpi slt, %while3A_365, %arg0 : i32
      %or3A = vector.broadcast %lt3A : i1 to vector<256x256xi1>
      %or3A_383 = arith.ori %or3A, %ge3A : vector<256x256xi1>
      %jit3A = arith.constant -1.000000e+09 : f32
      %broadcast_in_dim3A_384 = vector.broadcast %jit3A : f32 to vector<256x256xf32>
      %select_n3A = arith.select %or3A_383, %mul3A_382, %broadcast_in_dim3A_384 : vector<256x256xi1>, vector<256x256xf32>
      %reduce_max3A = arith.constant dense<0xFF800000> : vector<256xf32>
      %reduce_max3A_385 = vector.multi_reduction <maximumf>, %select_n3A, %reduce_max3A [1] : vector<256x256xf32> to vector<256xf32>
      %broadcast_in_dim3A_386 = vector.shape_cast %reduce_max3A_385 : vector<256xf32> to vector<256x1xf32>
      %max3A = arith.maximumf %while3A_366, %broadcast_in_dim3A_386 : vector<256x1xf32>
      %sub3A = arith.subf %while3A_366, %max3A : vector<256x1xf32>
      %exp3A = math.exp %sub3A : vector<256x1xf32>
      %sub3A_387 = vector.broadcast %max3A : vector<256x1xf32> to vector<256x256xf32>
      %sub3A_388 = arith.subf %select_n3A, %sub3A_387 : vector<256x256xf32>
      %exp3A_389 = math.exp %sub3A_388 : vector<256x256xf32>
      %mul3A_390 = arith.mulf %while3A_367, %exp3A : vector<256x1xf32>
      %reduce_sum3A = arith.constant dense<0.000000e+00> : vector<256xf32>
      %reduce_sum3A_391 = vector.multi_reduction <add>, %exp3A_389, %reduce_sum3A [1] : vector<256x256xf32> to vector<256xf32>
      %broadcast_in_dim3A_392 = vector.shape_cast %reduce_sum3A_391 : vector<256xf32> to vector<256x1xf32>
      %add3A_393 = arith.addf %mul3A_390, %broadcast_in_dim3A_392 : vector<256x1xf32>
      %mul3A_394 = vector.broadcast %exp3A : vector<256x1xf32> to vector<256x64xf32>
      %mul3A_395 = arith.mulf %while3A_368, %mul3A_394 : vector<256x64xf32>
      %convert_element_type3A_396 = arith.truncf %exp3A_389 : vector<256x256xf32> to vector<256x256xbf16>
      %dot_general3A_397 = arith.constant dense<0.000000e+00> : vector<256x64xf32>
      %dot_general3A_398 = tpu.matmul %convert_element_type3A_396, %get3A_378, %dot_general3A_397 {dimension_numbers = #tpu.dot_dimension_numbers<[1], [0], [0], [1], [0, 0, 1, 1], [], []>, transpose_lhs_hint = false} : vector<256x256xbf16>, vector<256x64xbf16>, vector<256x64xf32> -> vector<256x64xf32>
      %add3A_399 = arith.addf %mul3A_395, %dot_general3A_398 : vector<256x64xf32>
      scf.yield %max3A, %add3A_393, %add3A_399 : vector<256x1xf32>, vector<256x1xf32>, vector<256x64xf32>
    }
    %div3A_46 = arith.constant 1.000000e+00 : f32
    %div3A_47 = vector.broadcast %div3A_46 : f32 to vector<256x1xf32>
    %div3A_48 = arith.divf %div3A_47, %while3A_45#1 : vector<256x1xf32>
    %mul3A_49 = vector.broadcast %div3A_48 : vector<256x1xf32> to vector<256x64xf32>
    %mul3A_50 = arith.mulf %while3A_45#2, %mul3A_49 : vector<256x64xf32>
    %convert_element_type3A_51 = arith.truncf %mul3A_50 : vector<256x64xf32> to vector<256x64xbf16>
    %swap3A_52 = arith.constant 0 : index
    %swap3A_53 = arith.constant 64 : index
    %swap3A_54 = vector.load %arg4[%swap3A_52, %swap3A_53] : memref<256x768xbf16, #tpu.memory_space<vmem>>, vector<256x64xbf16>
    tpu.vector_store %arg4[%swap3A_52, %swap3A_53], %convert_element_type3A_51 {strides = array<i32>} : memref<256x768xbf16, #tpu.memory_space<vmem>>, vector<256x64xbf16>,
    %get3A_55 = arith.constant 0 : index
    %get3A_56 = arith.constant 128 : index
    %get3A_57 = vector.load %arg1[%get3A_55, %get3A_56] : memref<256x768xbf16, #tpu.memory_space<vmem>>, vector<256x64xbf16>
    %broadcast_in_dim3A_58 = arith.constant -1.000000e+30 : f32
    %broadcast_in_dim3A_59 = vector.broadcast %broadcast_in_dim3A_58 : f32 to vector<256x1xf32>
    %broadcast_in_dim3A_60 = arith.constant 0.000000e+00 : f32
    %broadcast_in_dim3A_61 = vector.broadcast %broadcast_in_dim3A_60 : f32 to vector<256x1xf32>
    %broadcast_in_dim3A_62 = arith.constant 0.000000e+00 : f32
    %broadcast_in_dim3A_63 = vector.broadcast %broadcast_in_dim3A_62 : f32 to vector<256x64xf32>
    %add3A_64 = arith.constant 1 : i32
    %add3A_65 = arith.addi %arg0, %add3A_64 : i32
    %while3A_66 = arith.constant 0 : i32
    %while3A_67 = arith.subi %add3A_65, %while3A_66 : i32
    %while3A_68 = arith.addi %while3A_66, %while3A_67 : i32
    %while3A_69 = arith.constant 1 : i32
    %while3A_70 = arith.divsi %while3A_67, %while3A_69 : i32
    %while3A_71 = arith.muli %while3A_70, %while3A_69 : i32
    %while3A_72 = arith.addi %while3A_66, %while3A_71 : i32
    %while3A_73 = arith.constant 1 : i32
    %while3A_74:3 = scf.for %while3A_365 = %while3A_66 to %while3A_72 step %while3A_73 iter_args(%while3A_366 = %broadcast_in_dim3A_59, %while3A_367 = %broadcast_in_dim3A_61, %while3A_368 = %broadcast_in_dim3A_63) -> (vector<256x1xf32>, vector<256x1xf32>, vector<256x64xf32>)  : i32 {
      %mul3A_369 = arith.constant 256 : i32
      %mul3A_370 = arith.muli %while3A_365, %mul3A_369 : i32
      %get3A_371 = arith.index_cast %mul3A_370 : i32 to index
      %get3A_372 = arith.constant 128 : index
      %get3A_373 = vector.load %arg2[%get3A_371, %get3A_372] : memref<2048x768xbf16, #tpu.memory_space<vmem>>, vector<256x64xbf16>
      %mul3A_374 = arith.constant 256 : i32
      %mul3A_375 = arith.muli %while3A_365, %mul3A_374 : i32
      %get3A_376 = arith.index_cast %mul3A_375 : i32 to index
      %get3A_377 = arith.constant 128 : index
      %get3A_378 = vector.load %arg3[%get3A_376, %get3A_377] : memref<2048x768xbf16, #tpu.memory_space<vmem>>, vector<256x64xbf16>
      %dot_general3A = arith.constant dense<0.000000e+00> : vector<256x256xf32>
      %dot_general3A_379 = tpu.matmul %get3A_57, %get3A_373, %dot_general3A {dimension_numbers = #tpu.dot_dimension_numbers<[1], [1], [0], [0], [0, 0, 1, 0], [], []>, transpose_lhs_hint = false} : vector<256x64xbf16>, vector<256x64xbf16>, vector<256x256xf32> -> vector<256x256xf32>
      %mul3A_380 = arith.constant 1.250000e-01 : f32
      %mul3A_381 = vector.broadcast %mul3A_380 : f32 to vector<256x256xf32>
      %mul3A_382 = arith.mulf %dot_general3A_379, %mul3A_381 : vector<256x256xf32>
      %lt3A = arith.cmpi slt, %while3A_365, %arg0 : i32
      %or3A = vector.broadcast %lt3A : i1 to vector<256x256xi1>
      %or3A_383 = arith.ori %or3A, %ge3A : vector<256x256xi1>
      %jit3A = arith.constant -1.000000e+09 : f32
      %broadcast_in_dim3A_384 = vector.broadcast %jit3A : f32 to vector<256x256xf32>
      %select_n3A = arith.select %or3A_383, %mul3A_382, %broadcast_in_dim3A_384 : vector<256x256xi1>, vector<256x256xf32>
      %reduce_max3A = arith.constant dense<0xFF800000> : vector<256xf32>
      %reduce_max3A_385 = vector.multi_reduction <maximumf>, %select_n3A, %reduce_max3A [1] : vector<256x256xf32> to vector<256xf32>
      %broadcast_in_dim3A_386 = vector.shape_cast %reduce_max3A_385 : vector<256xf32> to vector<256x1xf32>
      %max3A = arith.maximumf %while3A_366, %broadcast_in_dim3A_386 : vector<256x1xf32>
      %sub3A = arith.subf %while3A_366, %max3A : vector<256x1xf32>
      %exp3A = math.exp %sub3A : vector<256x1xf32>
      %sub3A_387 = vector.broadcast %max3A : vector<256x1xf32> to vector<256x256xf32>
      %sub3A_388 = arith.subf %select_n3A, %sub3A_387 : vector<256x256xf32>
      %exp3A_389 = math.exp %sub3A_388 : vector<256x256xf32>
      %mul3A_390 = arith.mulf %while3A_367, %exp3A : vector<256x1xf32>
      %reduce_sum3A = arith.constant dense<0.000000e+00> : vector<256xf32>
      %reduce_sum3A_391 = vector.multi_reduction <add>, %exp3A_389, %reduce_sum3A [1] : vector<256x256xf32> to vector<256xf32>
      %broadcast_in_dim3A_392 = vector.shape_cast %reduce_sum3A_391 : vector<256xf32> to vector<256x1xf32>
      %add3A_393 = arith.addf %mul3A_390, %broadcast_in_dim3A_392 : vector<256x1xf32>
      %mul3A_394 = vector.broadcast %exp3A : vector<256x1xf32> to vector<256x64xf32>
      %mul3A_395 = arith.mulf %while3A_368, %mul3A_394 : vector<256x64xf32>
      %convert_element_type3A_396 = arith.truncf %exp3A_389 : vector<256x256xf32> to vector<256x256xbf16>
      %dot_general3A_397 = arith.constant dense<0.000000e+00> : vector<256x64xf32>
      %dot_general3A_398 = tpu.matmul %convert_element_type3A_396, %get3A_378, %dot_general3A_397 {dimension_numbers = #tpu.dot_dimension_numbers<[1], [0], [0], [1], [0, 0, 1, 1], [], []>, transpose_lhs_hint = false} : vector<256x256xbf16>, vector<256x64xbf16>, vector<256x64xf32> -> vector<256x64xf32>
      %add3A_399 = arith.addf %mul3A_395, %dot_general3A_398 : vector<256x64xf32>
      scf.yield %max3A, %add3A_393, %add3A_399 : vector<256x1xf32>, vector<256x1xf32>, vector<256x64xf32>
    }
    %while3A_75 = arith.constant 1 : i32
    %while3A_76:3 = scf.for %while3A_365 = %while3A_72 to %while3A_68 step %while3A_75 iter_args(%while3A_366 = %while3A_74#0, %while3A_367 = %while3A_74#1, %while3A_368 = %while3A_74#2) -> (vector<256x1xf32>, vector<256x1xf32>, vector<256x64xf32>)  : i32 {
      %mul3A_369 = arith.constant 256 : i32
      %mul3A_370 = arith.muli %while3A_365, %mul3A_369 : i32
      %get3A_371 = arith.index_cast %mul3A_370 : i32 to index
      %get3A_372 = arith.constant 128 : index
      %get3A_373 = vector.load %arg2[%get3A_371, %get3A_372] : memref<2048x768xbf16, #tpu.memory_space<vmem>>, vector<256x64xbf16>
      %mul3A_374 = arith.constant 256 : i32
      %mul3A_375 = arith.muli %while3A_365, %mul3A_374 : i32
      %get3A_376 = arith.index_cast %mul3A_375 : i32 to index
      %get3A_377 = arith.constant 128 : index
      %get3A_378 = vector.load %arg3[%get3A_376, %get3A_377] : memref<2048x768xbf16, #tpu.memory_space<vmem>>, vector<256x64xbf16>
      %dot_general3A = arith.constant dense<0.000000e+00> : vector<256x256xf32>
      %dot_general3A_379 = tpu.matmul %get3A_57, %get3A_373, %dot_general3A {dimension_numbers = #tpu.dot_dimension_numbers<[1], [1], [0], [0], [0, 0, 1, 0], [], []>, transpose_lhs_hint = false} : vector<256x64xbf16>, vector<256x64xbf16>, vector<256x256xf32> -> vector<256x256xf32>
      %mul3A_380 = arith.constant 1.250000e-01 : f32
      %mul3A_381 = vector.broadcast %mul3A_380 : f32 to vector<256x256xf32>
      %mul3A_382 = arith.mulf %dot_general3A_379, %mul3A_381 : vector<256x256xf32>
      %lt3A = arith.cmpi slt, %while3A_365, %arg0 : i32
      %or3A = vector.broadcast %lt3A : i1 to vector<256x256xi1>
      %or3A_383 = arith.ori %or3A, %ge3A : vector<256x256xi1>
      %jit3A = arith.constant -1.000000e+09 : f32
      %broadcast_in_dim3A_384 = vector.broadcast %jit3A : f32 to vector<256x256xf32>
      %select_n3A = arith.select %or3A_383, %mul3A_382, %broadcast_in_dim3A_384 : vector<256x256xi1>, vector<256x256xf32>
      %reduce_max3A = arith.constant dense<0xFF800000> : vector<256xf32>
      %reduce_max3A_385 = vector.multi_reduction <maximumf>, %select_n3A, %reduce_max3A [1] : vector<256x256xf32> to vector<256xf32>
      %broadcast_in_dim3A_386 = vector.shape_cast %reduce_max3A_385 : vector<256xf32> to vector<256x1xf32>
      %max3A = arith.maximumf %while3A_366, %broadcast_in_dim3A_386 : vector<256x1xf32>
      %sub3A = arith.subf %while3A_366, %max3A : vector<256x1xf32>
      %exp3A = math.exp %sub3A : vector<256x1xf32>
      %sub3A_387 = vector.broadcast %max3A : vector<256x1xf32> to vector<256x256xf32>
      %sub3A_388 = arith.subf %select_n3A, %sub3A_387 : vector<256x256xf32>
      %exp3A_389 = math.exp %sub3A_388 : vector<256x256xf32>
      %mul3A_390 = arith.mulf %while3A_367, %exp3A : vector<256x1xf32>
      %reduce_sum3A = arith.constant dense<0.000000e+00> : vector<256xf32>
      %reduce_sum3A_391 = vector.multi_reduction <add>, %exp3A_389, %reduce_sum3A [1] : vector<256x256xf32> to vector<256xf32>
      %broadcast_in_dim3A_392 = vector.shape_cast %reduce_sum3A_391 : vector<256xf32> to vector<256x1xf32>
      %add3A_393 = arith.addf %mul3A_390, %broadcast_in_dim3A_392 : vector<256x1xf32>
      %mul3A_394 = vector.broadcast %exp3A : vector<256x1xf32> to vector<256x64xf32>
      %mul3A_395 = arith.mulf %while3A_368, %mul3A_394 : vector<256x64xf32>
      %convert_element_type3A_396 = arith.truncf %exp3A_389 : vector<256x256xf32> to vector<256x256xbf16>
      %dot_general3A_397 = arith.constant dense<0.000000e+00> : vector<256x64xf32>
      %dot_general3A_398 = tpu.matmul %convert_element_type3A_396, %get3A_378, %dot_general3A_397 {dimension_numbers = #tpu.dot_dimension_numbers<[1], [0], [0], [1], [0, 0, 1, 1], [], []>, transpose_lhs_hint = false} : vector<256x256xbf16>, vector<256x64xbf16>, vector<256x64xf32> -> vector<256x64xf32>
      %add3A_399 = arith.addf %mul3A_395, %dot_general3A_398 : vector<256x64xf32>
      scf.yield %max3A, %add3A_393, %add3A_399 : vector<256x1xf32>, vector<256x1xf32>, vector<256x64xf32>
    }
    %div3A_77 = arith.constant 1.000000e+00 : f32
    %div3A_78 = vector.broadcast %div3A_77 : f32 to vector<256x1xf32>
    %div3A_79 = arith.divf %div3A_78, %while3A_76#1 : vector<256x1xf32>
    %mul3A_80 = vector.broadcast %div3A_79 : vector<256x1xf32> to vector<256x64xf32>
    %mul3A_81 = arith.mulf %while3A_76#2, %mul3A_80 : vector<256x64xf32>
    %convert_element_type3A_82 = arith.truncf %mul3A_81 : vector<256x64xf32> to vector<256x64xbf16>
    %swap3A_83 = arith.constant 0 : index
    %swap3A_84 = arith.constant 128 : index
    %swap3A_85 = vector.load %arg4[%swap3A_83, %swap3A_84] : memref<256x768xbf16, #tpu.memory_space<vmem>>, vector<256x64xbf16>
    tpu.vector_store %arg4[%swap3A_83, %swap3A_84], %convert_element_type3A_82 {strides = array<i32>} : memref<256x768xbf16, #tpu.memory_space<vmem>>, vector<256x64xbf16>,
    %get3A_86 = arith.constant 0 : index
    %get3A_87 = arith.constant 192 : index
    %get3A_88 = vector.load %arg1[%get3A_86, %get3A_87] : memref<256x768xbf16, #tpu.memory_space<vmem>>, vector<256x64xbf16>
    %broadcast_in_dim3A_89 = arith.constant -1.000000e+30 : f32
    %broadcast_in_dim3A_90 = vector.broadcast %broadcast_in_dim3A_89 : f32 to vector<256x1xf32>
    %broadcast_in_dim3A_91 = arith.constant 0.000000e+00 : f32
    %broadcast_in_dim3A_92 = vector.broadcast %broadcast_in_dim3A_91 : f32 to vector<256x1xf32>
    %broadcast_in_dim3A_93 = arith.constant 0.000000e+00 : f32
    %broadcast_in_dim3A_94 = vector.broadcast %broadcast_in_dim3A_93 : f32 to vector<256x64xf32>
    %add3A_95 = arith.constant 1 : i32
    %add3A_96 = arith.addi %arg0, %add3A_95 : i32
    %while3A_97 = arith.constant 0 : i32
    %while3A_98 = arith.subi %add3A_96, %while3A_97 : i32
    %while3A_99 = arith.addi %while3A_97, %while3A_98 : i32
    %while3A_100 = arith.constant 1 : i32
    %while3A_101 = arith.divsi %while3A_98, %while3A_100 : i32
    %while3A_102 = arith.muli %while3A_101, %while3A_100 : i32
    %while3A_103 = arith.addi %while3A_97, %while3A_102 : i32
    %while3A_104 = arith.constant 1 : i32
    %while3A_105:3 = scf.for %while3A_365 = %while3A_97 to %while3A_103 step %while3A_104 iter_args(%while3A_366 = %broadcast_in_dim3A_90, %while3A_367 = %broadcast_in_dim3A_92, %while3A_368 = %broadcast_in_dim3A_94) -> (vector<256x1xf32>, vector<256x1xf32>, vector<256x64xf32>)  : i32 {
      %mul3A_369 = arith.constant 256 : i32
      %mul3A_370 = arith.muli %while3A_365, %mul3A_369 : i32
      %get3A_371 = arith.index_cast %mul3A_370 : i32 to index
      %get3A_372 = arith.constant 192 : index
      %get3A_373 = vector.load %arg2[%get3A_371, %get3A_372] : memref<2048x768xbf16, #tpu.memory_space<vmem>>, vector<256x64xbf16>
      %mul3A_374 = arith.constant 256 : i32
      %mul3A_375 = arith.muli %while3A_365, %mul3A_374 : i32
      %get3A_376 = arith.index_cast %mul3A_375 : i32 to index
      %get3A_377 = arith.constant 192 : index
      %get3A_378 = vector.load %arg3[%get3A_376, %get3A_377] : memref<2048x768xbf16, #tpu.memory_space<vmem>>, vector<256x64xbf16>
      %dot_general3A = arith.constant dense<0.000000e+00> : vector<256x256xf32>
      %dot_general3A_379 = tpu.matmul %get3A_88, %get3A_373, %dot_general3A {dimension_numbers = #tpu.dot_dimension_numbers<[1], [1], [0], [0], [0, 0, 1, 0], [], []>, transpose_lhs_hint = false} : vector<256x64xbf16>, vector<256x64xbf16>, vector<256x256xf32> -> vector<256x256xf32>
      %mul3A_380 = arith.constant 1.250000e-01 : f32
      %mul3A_381 = vector.broadcast %mul3A_380 : f32 to vector<256x256xf32>
      %mul3A_382 = arith.mulf %dot_general3A_379, %mul3A_381 : vector<256x256xf32>
      %lt3A = arith.cmpi slt, %while3A_365, %arg0 : i32
      %or3A = vector.broadcast %lt3A : i1 to vector<256x256xi1>
      %or3A_383 = arith.ori %or3A, %ge3A : vector<256x256xi1>
      %jit3A = arith.constant -1.000000e+09 : f32
      %broadcast_in_dim3A_384 = vector.broadcast %jit3A : f32 to vector<256x256xf32>
      %select_n3A = arith.select %or3A_383, %mul3A_382, %broadcast_in_dim3A_384 : vector<256x256xi1>, vector<256x256xf32>
      %reduce_max3A = arith.constant dense<0xFF800000> : vector<256xf32>
      %reduce_max3A_385 = vector.multi_reduction <maximumf>, %select_n3A, %reduce_max3A [1] : vector<256x256xf32> to vector<256xf32>
      %broadcast_in_dim3A_386 = vector.shape_cast %reduce_max3A_385 : vector<256xf32> to vector<256x1xf32>
      %max3A = arith.maximumf %while3A_366, %broadcast_in_dim3A_386 : vector<256x1xf32>
      %sub3A = arith.subf %while3A_366, %max3A : vector<256x1xf32>
      %exp3A = math.exp %sub3A : vector<256x1xf32>
      %sub3A_387 = vector.broadcast %max3A : vector<256x1xf32> to vector<256x256xf32>
      %sub3A_388 = arith.subf %select_n3A, %sub3A_387 : vector<256x256xf32>
      %exp3A_389 = math.exp %sub3A_388 : vector<256x256xf32>
      %mul3A_390 = arith.mulf %while3A_367, %exp3A : vector<256x1xf32>
      %reduce_sum3A = arith.constant dense<0.000000e+00> : vector<256xf32>
      %reduce_sum3A_391 = vector.multi_reduction <add>, %exp3A_389, %reduce_sum3A [1] : vector<256x256xf32> to vector<256xf32>
      %broadcast_in_dim3A_392 = vector.shape_cast %reduce_sum3A_391 : vector<256xf32> to vector<256x1xf32>
      %add3A_393 = arith.addf %mul3A_390, %broadcast_in_dim3A_392 : vector<256x1xf32>
      %mul3A_394 = vector.broadcast %exp3A : vector<256x1xf32> to vector<256x64xf32>
      %mul3A_395 = arith.mulf %while3A_368, %mul3A_394 : vector<256x64xf32>
      %convert_element_type3A_396 = arith.truncf %exp3A_389 : vector<256x256xf32> to vector<256x256xbf16>
      %dot_general3A_397 = arith.constant dense<0.000000e+00> : vector<256x64xf32>
      %dot_general3A_398 = tpu.matmul %convert_element_type3A_396, %get3A_378, %dot_general3A_397 {dimension_numbers = #tpu.dot_dimension_numbers<[1], [0], [0], [1], [0, 0, 1, 1], [], []>, transpose_lhs_hint = false} : vector<256x256xbf16>, vector<256x64xbf16>, vector<256x64xf32> -> vector<256x64xf32>
      %add3A_399 = arith.addf %mul3A_395, %dot_general3A_398 : vector<256x64xf32>
      scf.yield %max3A, %add3A_393, %add3A_399 : vector<256x1xf32>, vector<256x1xf32>, vector<256x64xf32>
    }
    %while3A_106 = arith.constant 1 : i32
    %while3A_107:3 = scf.for %while3A_365 = %while3A_103 to %while3A_99 step %while3A_106 iter_args(%while3A_366 = %while3A_105#0, %while3A_367 = %while3A_105#1, %while3A_368 = %while3A_105#2) -> (vector<256x1xf32>, vector<256x1xf32>, vector<256x64xf32>)  : i32 {
      %mul3A_369 = arith.constant 256 : i32
      %mul3A_370 = arith.muli %while3A_365, %mul3A_369 : i32
      %get3A_371 = arith.index_cast %mul3A_370 : i32 to index
      %get3A_372 = arith.constant 192 : index
      %get3A_373 = vector.load %arg2[%get3A_371, %get3A_372] : memref<2048x768xbf16, #tpu.memory_space<vmem>>, vector<256x64xbf16>
      %mul3A_374 = arith.constant 256 : i32
      %mul3A_375 = arith.muli %while3A_365, %mul3A_374 : i32
      %get3A_376 = arith.index_cast %mul3A_375 : i32 to index
      %get3A_377 = arith.constant 192 : index
      %get3A_378 = vector.load %arg3[%get3A_376, %get3A_377] : memref<2048x768xbf16, #tpu.memory_space<vmem>>, vector<256x64xbf16>
      %dot_general3A = arith.constant dense<0.000000e+00> : vector<256x256xf32>
      %dot_general3A_379 = tpu.matmul %get3A_88, %get3A_373, %dot_general3A {dimension_numbers = #tpu.dot_dimension_numbers<[1], [1], [0], [0], [0, 0, 1, 0], [], []>, transpose_lhs_hint = false} : vector<256x64xbf16>, vector<256x64xbf16>, vector<256x256xf32> -> vector<256x256xf32>
      %mul3A_380 = arith.constant 1.250000e-01 : f32
      %mul3A_381 = vector.broadcast %mul3A_380 : f32 to vector<256x256xf32>
      %mul3A_382 = arith.mulf %dot_general3A_379, %mul3A_381 : vector<256x256xf32>
      %lt3A = arith.cmpi slt, %while3A_365, %arg0 : i32
      %or3A = vector.broadcast %lt3A : i1 to vector<256x256xi1>
      %or3A_383 = arith.ori %or3A, %ge3A : vector<256x256xi1>
      %jit3A = arith.constant -1.000000e+09 : f32
      %broadcast_in_dim3A_384 = vector.broadcast %jit3A : f32 to vector<256x256xf32>
      %select_n3A = arith.select %or3A_383, %mul3A_382, %broadcast_in_dim3A_384 : vector<256x256xi1>, vector<256x256xf32>
      %reduce_max3A = arith.constant dense<0xFF800000> : vector<256xf32>
      %reduce_max3A_385 = vector.multi_reduction <maximumf>, %select_n3A, %reduce_max3A [1] : vector<256x256xf32> to vector<256xf32>
      %broadcast_in_dim3A_386 = vector.shape_cast %reduce_max3A_385 : vector<256xf32> to vector<256x1xf32>
      %max3A = arith.maximumf %while3A_366, %broadcast_in_dim3A_386 : vector<256x1xf32>
      %sub3A = arith.subf %while3A_366, %max3A : vector<256x1xf32>
      %exp3A = math.exp %sub3A : vector<256x1xf32>
      %sub3A_387 = vector.broadcast %max3A : vector<256x1xf32> to vector<256x256xf32>
      %sub3A_388 = arith.subf %select_n3A, %sub3A_387 : vector<256x256xf32>
      %exp3A_389 = math.exp %sub3A_388 : vector<256x256xf32>
      %mul3A_390 = arith.mulf %while3A_367, %exp3A : vector<256x1xf32>
      %reduce_sum3A = arith.constant dense<0.000000e+00> : vector<256xf32>
      %reduce_sum3A_391 = vector.multi_reduction <add>, %exp3A_389, %reduce_sum3A [1] : vector<256x256xf32> to vector<256xf32>
      %broadcast_in_dim3A_392 = vector.shape_cast %reduce_sum3A_391 : vector<256xf32> to vector<256x1xf32>
      %add3A_393 = arith.addf %mul3A_390, %broadcast_in_dim3A_392 : vector<256x1xf32>
      %mul3A_394 = vector.broadcast %exp3A : vector<256x1xf32> to vector<256x64xf32>
      %mul3A_395 = arith.mulf %while3A_368, %mul3A_394 : vector<256x64xf32>
      %convert_element_type3A_396 = arith.truncf %exp3A_389 : vector<256x256xf32> to vector<256x256xbf16>
      %dot_general3A_397 = arith.constant dense<0.000000e+00> : vector<256x64xf32>
      %dot_general3A_398 = tpu.matmul %convert_element_type3A_396, %get3A_378, %dot_general3A_397 {dimension_numbers = #tpu.dot_dimension_numbers<[1], [0], [0], [1], [0, 0, 1, 1], [], []>, transpose_lhs_hint = false} : vector<256x256xbf16>, vector<256x64xbf16>, vector<256x64xf32> -> vector<256x64xf32>
      %add3A_399 = arith.addf %mul3A_395, %dot_general3A_398 : vector<256x64xf32>
      scf.yield %max3A, %add3A_393, %add3A_399 : vector<256x1xf32>, vector<256x1xf32>, vector<256x64xf32>
    }
    %div3A_108 = arith.constant 1.000000e+00 : f32
    %div3A_109 = vector.broadcast %div3A_108 : f32 to vector<256x1xf32>
    %div3A_110 = arith.divf %div3A_109, %while3A_107#1 : vector<256x1xf32>
    %mul3A_111 = vector.broadcast %div3A_110 : vector<256x1xf32> to vector<256x64xf32>
    %mul3A_112 = arith.mulf %while3A_107#2, %mul3A_111 : vector<256x64xf32>
    %convert_element_type3A_113 = arith.truncf %mul3A_112 : vector<256x64xf32> to vector<256x64xbf16>
    %swap3A_114 = arith.constant 0 : index
    %swap3A_115 = arith.constant 192 : index
    %swap3A_116 = vector.load %arg4[%swap3A_114, %swap3A_115] : memref<256x768xbf16, #tpu.memory_space<vmem>>, vector<256x64xbf16>
    tpu.vector_store %arg4[%swap3A_114, %swap3A_115], %convert_element_type3A_113 {strides = array<i32>} : memref<256x768xbf16, #tpu.memory_space<vmem>>, vector<256x64xbf16>,
    %get3A_117 = arith.constant 0 : index
    %get3A_118 = arith.constant 256 : index
    %get3A_119 = vector.load %arg1[%get3A_117, %get3A_118] : memref<256x768xbf16, #tpu.memory_space<vmem>>, vector<256x64xbf16>
    %broadcast_in_dim3A_120 = arith.constant -1.000000e+30 : f32
    %broadcast_in_dim3A_121 = vector.broadcast %broadcast_in_dim3A_120 : f32 to vector<256x1xf32>
    %broadcast_in_dim3A_122 = arith.constant 0.000000e+00 : f32
    %broadcast_in_dim3A_123 = vector.broadcast %broadcast_in_dim3A_122 : f32 to vector<256x1xf32>
    %broadcast_in_dim3A_124 = arith.constant 0.000000e+00 : f32
    %broadcast_in_dim3A_125 = vector.broadcast %broadcast_in_dim3A_124 : f32 to vector<256x64xf32>
    %add3A_126 = arith.constant 1 : i32
    %add3A_127 = arith.addi %arg0, %add3A_126 : i32
    %while3A_128 = arith.constant 0 : i32
    %while3A_129 = arith.subi %add3A_127, %while3A_128 : i32
    %while3A_130 = arith.addi %while3A_128, %while3A_129 : i32
    %while3A_131 = arith.constant 1 : i32
    %while3A_132 = arith.divsi %while3A_129, %while3A_131 : i32
    %while3A_133 = arith.muli %while3A_132, %while3A_131 : i32
    %while3A_134 = arith.addi %while3A_128, %while3A_133 : i32
    %while3A_135 = arith.constant 1 : i32
    %while3A_136:3 = scf.for %while3A_365 = %while3A_128 to %while3A_134 step %while3A_135 iter_args(%while3A_366 = %broadcast_in_dim3A_121, %while3A_367 = %broadcast_in_dim3A_123, %while3A_368 = %broadcast_in_dim3A_125) -> (vector<256x1xf32>, vector<256x1xf32>, vector<256x64xf32>)  : i32 {
      %mul3A_369 = arith.constant 256 : i32
      %mul3A_370 = arith.muli %while3A_365, %mul3A_369 : i32
      %get3A_371 = arith.index_cast %mul3A_370 : i32 to index
      %get3A_372 = arith.constant 256 : index
      %get3A_373 = vector.load %arg2[%get3A_371, %get3A_372] : memref<2048x768xbf16, #tpu.memory_space<vmem>>, vector<256x64xbf16>
      %mul3A_374 = arith.constant 256 : i32
      %mul3A_375 = arith.muli %while3A_365, %mul3A_374 : i32
      %get3A_376 = arith.index_cast %mul3A_375 : i32 to index
      %get3A_377 = arith.constant 256 : index
      %get3A_378 = vector.load %arg3[%get3A_376, %get3A_377] : memref<2048x768xbf16, #tpu.memory_space<vmem>>, vector<256x64xbf16>
      %dot_general3A = arith.constant dense<0.000000e+00> : vector<256x256xf32>
      %dot_general3A_379 = tpu.matmul %get3A_119, %get3A_373, %dot_general3A {dimension_numbers = #tpu.dot_dimension_numbers<[1], [1], [0], [0], [0, 0, 1, 0], [], []>, transpose_lhs_hint = false} : vector<256x64xbf16>, vector<256x64xbf16>, vector<256x256xf32> -> vector<256x256xf32>
      %mul3A_380 = arith.constant 1.250000e-01 : f32
      %mul3A_381 = vector.broadcast %mul3A_380 : f32 to vector<256x256xf32>
      %mul3A_382 = arith.mulf %dot_general3A_379, %mul3A_381 : vector<256x256xf32>
      %lt3A = arith.cmpi slt, %while3A_365, %arg0 : i32
      %or3A = vector.broadcast %lt3A : i1 to vector<256x256xi1>
      %or3A_383 = arith.ori %or3A, %ge3A : vector<256x256xi1>
      %jit3A = arith.constant -1.000000e+09 : f32
      %broadcast_in_dim3A_384 = vector.broadcast %jit3A : f32 to vector<256x256xf32>
      %select_n3A = arith.select %or3A_383, %mul3A_382, %broadcast_in_dim3A_384 : vector<256x256xi1>, vector<256x256xf32>
      %reduce_max3A = arith.constant dense<0xFF800000> : vector<256xf32>
      %reduce_max3A_385 = vector.multi_reduction <maximumf>, %select_n3A, %reduce_max3A [1] : vector<256x256xf32> to vector<256xf32>
      %broadcast_in_dim3A_386 = vector.shape_cast %reduce_max3A_385 : vector<256xf32> to vector<256x1xf32>
      %max3A = arith.maximumf %while3A_366, %broadcast_in_dim3A_386 : vector<256x1xf32>
      %sub3A = arith.subf %while3A_366, %max3A : vector<256x1xf32>
      %exp3A = math.exp %sub3A : vector<256x1xf32>
      %sub3A_387 = vector.broadcast %max3A : vector<256x1xf32> to vector<256x256xf32>
      %sub3A_388 = arith.subf %select_n3A, %sub3A_387 : vector<256x256xf32>
      %exp3A_389 = math.exp %sub3A_388 : vector<256x256xf32>
      %mul3A_390 = arith.mulf %while3A_367, %exp3A : vector<256x1xf32>
      %reduce_sum3A = arith.constant dense<0.000000e+00> : vector<256xf32>
      %reduce_sum3A_391 = vector.multi_reduction <add>, %exp3A_389, %reduce_sum3A [1] : vector<256x256xf32> to vector<256xf32>
      %broadcast_in_dim3A_392 = vector.shape_cast %reduce_sum3A_391 : vector<256xf32> to vector<256x1xf32>
      %add3A_393 = arith.addf %mul3A_390, %broadcast_in_dim3A_392 : vector<256x1xf32>
      %mul3A_394 = vector.broadcast %exp3A : vector<256x1xf32> to vector<256x64xf32>
      %mul3A_395 = arith.mulf %while3A_368, %mul3A_394 : vector<256x64xf32>
      %convert_element_type3A_396 = arith.truncf %exp3A_389 : vector<256x256xf32> to vector<256x256xbf16>
      %dot_general3A_397 = arith.constant dense<0.000000e+00> : vector<256x64xf32>
      %dot_general3A_398 = tpu.matmul %convert_element_type3A_396, %get3A_378, %dot_general3A_397 {dimension_numbers = #tpu.dot_dimension_numbers<[1], [0], [0], [1], [0, 0, 1, 1], [], []>, transpose_lhs_hint = false} : vector<256x256xbf16>, vector<256x64xbf16>, vector<256x64xf32> -> vector<256x64xf32>
      %add3A_399 = arith.addf %mul3A_395, %dot_general3A_398 : vector<256x64xf32>
      scf.yield %max3A, %add3A_393, %add3A_399 : vector<256x1xf32>, vector<256x1xf32>, vector<256x64xf32>
    }
    %while3A_137 = arith.constant 1 : i32
    %while3A_138:3 = scf.for %while3A_365 = %while3A_134 to %while3A_130 step %while3A_137 iter_args(%while3A_366 = %while3A_136#0, %while3A_367 = %while3A_136#1, %while3A_368 = %while3A_136#2) -> (vector<256x1xf32>, vector<256x1xf32>, vector<256x64xf32>)  : i32 {
      %mul3A_369 = arith.constant 256 : i32
      %mul3A_370 = arith.muli %while3A_365, %mul3A_369 : i32
      %get3A_371 = arith.index_cast %mul3A_370 : i32 to index
      %get3A_372 = arith.constant 256 : index
      %get3A_373 = vector.load %arg2[%get3A_371, %get3A_372] : memref<2048x768xbf16, #tpu.memory_space<vmem>>, vector<256x64xbf16>
      %mul3A_374 = arith.constant 256 : i32
      %mul3A_375 = arith.muli %while3A_365, %mul3A_374 : i32
      %get3A_376 = arith.index_cast %mul3A_375 : i32 to index
      %get3A_377 = arith.constant 256 : index
      %get3A_378 = vector.load %arg3[%get3A_376, %get3A_377] : memref<2048x768xbf16, #tpu.memory_space<vmem>>, vector<256x64xbf16>
      %dot_general3A = arith.constant dense<0.000000e+00> : vector<256x256xf32>
      %dot_general3A_379 = tpu.matmul %get3A_119, %get3A_373, %dot_general3A {dimension_numbers = #tpu.dot_dimension_numbers<[1], [1], [0], [0], [0, 0, 1, 0], [], []>, transpose_lhs_hint = false} : vector<256x64xbf16>, vector<256x64xbf16>, vector<256x256xf32> -> vector<256x256xf32>
      %mul3A_380 = arith.constant 1.250000e-01 : f32
      %mul3A_381 = vector.broadcast %mul3A_380 : f32 to vector<256x256xf32>
      %mul3A_382 = arith.mulf %dot_general3A_379, %mul3A_381 : vector<256x256xf32>
      %lt3A = arith.cmpi slt, %while3A_365, %arg0 : i32
      %or3A = vector.broadcast %lt3A : i1 to vector<256x256xi1>
      %or3A_383 = arith.ori %or3A, %ge3A : vector<256x256xi1>
      %jit3A = arith.constant -1.000000e+09 : f32
      %broadcast_in_dim3A_384 = vector.broadcast %jit3A : f32 to vector<256x256xf32>
      %select_n3A = arith.select %or3A_383, %mul3A_382, %broadcast_in_dim3A_384 : vector<256x256xi1>, vector<256x256xf32>
      %reduce_max3A = arith.constant dense<0xFF800000> : vector<256xf32>
      %reduce_max3A_385 = vector.multi_reduction <maximumf>, %select_n3A, %reduce_max3A [1] : vector<256x256xf32> to vector<256xf32>
      %broadcast_in_dim3A_386 = vector.shape_cast %reduce_max3A_385 : vector<256xf32> to vector<256x1xf32>
      %max3A = arith.maximumf %while3A_366, %broadcast_in_dim3A_386 : vector<256x1xf32>
      %sub3A = arith.subf %while3A_366, %max3A : vector<256x1xf32>
      %exp3A = math.exp %sub3A : vector<256x1xf32>
      %sub3A_387 = vector.broadcast %max3A : vector<256x1xf32> to vector<256x256xf32>
      %sub3A_388 = arith.subf %select_n3A, %sub3A_387 : vector<256x256xf32>
      %exp3A_389 = math.exp %sub3A_388 : vector<256x256xf32>
      %mul3A_390 = arith.mulf %while3A_367, %exp3A : vector<256x1xf32>
      %reduce_sum3A = arith.constant dense<0.000000e+00> : vector<256xf32>
      %reduce_sum3A_391 = vector.multi_reduction <add>, %exp3A_389, %reduce_sum3A [1] : vector<256x256xf32> to vector<256xf32>
      %broadcast_in_dim3A_392 = vector.shape_cast %reduce_sum3A_391 : vector<256xf32> to vector<256x1xf32>
      %add3A_393 = arith.addf %mul3A_390, %broadcast_in_dim3A_392 : vector<256x1xf32>
      %mul3A_394 = vector.broadcast %exp3A : vector<256x1xf32> to vector<256x64xf32>
      %mul3A_395 = arith.mulf %while3A_368, %mul3A_394 : vector<256x64xf32>
      %convert_element_type3A_396 = arith.truncf %exp3A_389 : vector<256x256xf32> to vector<256x256xbf16>
      %dot_general3A_397 = arith.constant dense<0.000000e+00> : vector<256x64xf32>
      %dot_general3A_398 = tpu.matmul %convert_element_type3A_396, %get3A_378, %dot_general3A_397 {dimension_numbers = #tpu.dot_dimension_numbers<[1], [0], [0], [1], [0, 0, 1, 1], [], []>, transpose_lhs_hint = false} : vector<256x256xbf16>, vector<256x64xbf16>, vector<256x64xf32> -> vector<256x64xf32>
      %add3A_399 = arith.addf %mul3A_395, %dot_general3A_398 : vector<256x64xf32>
      scf.yield %max3A, %add3A_393, %add3A_399 : vector<256x1xf32>, vector<256x1xf32>, vector<256x64xf32>
    }
    %div3A_139 = arith.constant 1.000000e+00 : f32
    %div3A_140 = vector.broadcast %div3A_139 : f32 to vector<256x1xf32>
    %div3A_141 = arith.divf %div3A_140, %while3A_138#1 : vector<256x1xf32>
    %mul3A_142 = vector.broadcast %div3A_141 : vector<256x1xf32> to vector<256x64xf32>
    %mul3A_143 = arith.mulf %while3A_138#2, %mul3A_142 : vector<256x64xf32>
    %convert_element_type3A_144 = arith.truncf %mul3A_143 : vector<256x64xf32> to vector<256x64xbf16>
    %swap3A_145 = arith.constant 0 : index
    %swap3A_146 = arith.constant 256 : index
    %swap3A_147 = vector.load %arg4[%swap3A_145, %swap3A_146] : memref<256x768xbf16, #tpu.memory_space<vmem>>, vector<256x64xbf16>
    tpu.vector_store %arg4[%swap3A_145, %swap3A_146], %convert_element_type3A_144 {strides = array<i32>} : memref<256x768xbf16, #tpu.memory_space<vmem>>, vector<256x64xbf16>,
    %get3A_148 = arith.constant 0 : index
    %get3A_149 = arith.constant 320 : index
    %get3A_150 = vector.load %arg1[%get3A_148, %get3A_149] : memref<256x768xbf16, #tpu.memory_space<vmem>>, vector<256x64xbf16>
    %broadcast_in_dim3A_151 = arith.constant -1.000000e+30 : f32
    %broadcast_in_dim3A_152 = vector.broadcast %broadcast_in_dim3A_151 : f32 to vector<256x1xf32>
    %broadcast_in_dim3A_153 = arith.constant 0.000000e+00 : f32
    %broadcast_in_dim3A_154 = vector.broadcast %broadcast_in_dim3A_153 : f32 to vector<256x1xf32>
    %broadcast_in_dim3A_155 = arith.constant 0.000000e+00 : f32
    %broadcast_in_dim3A_156 = vector.broadcast %broadcast_in_dim3A_155 : f32 to vector<256x64xf32>
    %add3A_157 = arith.constant 1 : i32
    %add3A_158 = arith.addi %arg0, %add3A_157 : i32
    %while3A_159 = arith.constant 0 : i32
    %while3A_160 = arith.subi %add3A_158, %while3A_159 : i32
    %while3A_161 = arith.addi %while3A_159, %while3A_160 : i32
    %while3A_162 = arith.constant 1 : i32
    %while3A_163 = arith.divsi %while3A_160, %while3A_162 : i32
    %while3A_164 = arith.muli %while3A_163, %while3A_162 : i32
    %while3A_165 = arith.addi %while3A_159, %while3A_164 : i32
    %while3A_166 = arith.constant 1 : i32
    %while3A_167:3 = scf.for %while3A_365 = %while3A_159 to %while3A_165 step %while3A_166 iter_args(%while3A_366 = %broadcast_in_dim3A_152, %while3A_367 = %broadcast_in_dim3A_154, %while3A_368 = %broadcast_in_dim3A_156) -> (vector<256x1xf32>, vector<256x1xf32>, vector<256x64xf32>)  : i32 {
      %mul3A_369 = arith.constant 256 : i32
      %mul3A_370 = arith.muli %while3A_365, %mul3A_369 : i32
      %get3A_371 = arith.index_cast %mul3A_370 : i32 to index
      %get3A_372 = arith.constant 320 : index
      %get3A_373 = vector.load %arg2[%get3A_371, %get3A_372] : memref<2048x768xbf16, #tpu.memory_space<vmem>>, vector<256x64xbf16>
      %mul3A_374 = arith.constant 256 : i32
      %mul3A_375 = arith.muli %while3A_365, %mul3A_374 : i32
      %get3A_376 = arith.index_cast %mul3A_375 : i32 to index
      %get3A_377 = arith.constant 320 : index
      %get3A_378 = vector.load %arg3[%get3A_376, %get3A_377] : memref<2048x768xbf16, #tpu.memory_space<vmem>>, vector<256x64xbf16>
      %dot_general3A = arith.constant dense<0.000000e+00> : vector<256x256xf32>
      %dot_general3A_379 = tpu.matmul %get3A_150, %get3A_373, %dot_general3A {dimension_numbers = #tpu.dot_dimension_numbers<[1], [1], [0], [0], [0, 0, 1, 0], [], []>, transpose_lhs_hint = false} : vector<256x64xbf16>, vector<256x64xbf16>, vector<256x256xf32> -> vector<256x256xf32>
      %mul3A_380 = arith.constant 1.250000e-01 : f32
      %mul3A_381 = vector.broadcast %mul3A_380 : f32 to vector<256x256xf32>
      %mul3A_382 = arith.mulf %dot_general3A_379, %mul3A_381 : vector<256x256xf32>
      %lt3A = arith.cmpi slt, %while3A_365, %arg0 : i32
      %or3A = vector.broadcast %lt3A : i1 to vector<256x256xi1>
      %or3A_383 = arith.ori %or3A, %ge3A : vector<256x256xi1>
      %jit3A = arith.constant -1.000000e+09 : f32
      %broadcast_in_dim3A_384 = vector.broadcast %jit3A : f32 to vector<256x256xf32>
      %select_n3A = arith.select %or3A_383, %mul3A_382, %broadcast_in_dim3A_384 : vector<256x256xi1>, vector<256x256xf32>
      %reduce_max3A = arith.constant dense<0xFF800000> : vector<256xf32>
      %reduce_max3A_385 = vector.multi_reduction <maximumf>, %select_n3A, %reduce_max3A [1] : vector<256x256xf32> to vector<256xf32>
      %broadcast_in_dim3A_386 = vector.shape_cast %reduce_max3A_385 : vector<256xf32> to vector<256x1xf32>
      %max3A = arith.maximumf %while3A_366, %broadcast_in_dim3A_386 : vector<256x1xf32>
      %sub3A = arith.subf %while3A_366, %max3A : vector<256x1xf32>
      %exp3A = math.exp %sub3A : vector<256x1xf32>
      %sub3A_387 = vector.broadcast %max3A : vector<256x1xf32> to vector<256x256xf32>
      %sub3A_388 = arith.subf %select_n3A, %sub3A_387 : vector<256x256xf32>
      %exp3A_389 = math.exp %sub3A_388 : vector<256x256xf32>
      %mul3A_390 = arith.mulf %while3A_367, %exp3A : vector<256x1xf32>
      %reduce_sum3A = arith.constant dense<0.000000e+00> : vector<256xf32>
      %reduce_sum3A_391 = vector.multi_reduction <add>, %exp3A_389, %reduce_sum3A [1] : vector<256x256xf32> to vector<256xf32>
      %broadcast_in_dim3A_392 = vector.shape_cast %reduce_sum3A_391 : vector<256xf32> to vector<256x1xf32>
      %add3A_393 = arith.addf %mul3A_390, %broadcast_in_dim3A_392 : vector<256x1xf32>
      %mul3A_394 = vector.broadcast %exp3A : vector<256x1xf32> to vector<256x64xf32>
      %mul3A_395 = arith.mulf %while3A_368, %mul3A_394 : vector<256x64xf32>
      %convert_element_type3A_396 = arith.truncf %exp3A_389 : vector<256x256xf32> to vector<256x256xbf16>
      %dot_general3A_397 = arith.constant dense<0.000000e+00> : vector<256x64xf32>
      %dot_general3A_398 = tpu.matmul %convert_element_type3A_396, %get3A_378, %dot_general3A_397 {dimension_numbers = #tpu.dot_dimension_numbers<[1], [0], [0], [1], [0, 0, 1, 1], [], []>, transpose_lhs_hint = false} : vector<256x256xbf16>, vector<256x64xbf16>, vector<256x64xf32> -> vector<256x64xf32>
      %add3A_399 = arith.addf %mul3A_395, %dot_general3A_398 : vector<256x64xf32>
      scf.yield %max3A, %add3A_393, %add3A_399 : vector<256x1xf32>, vector<256x1xf32>, vector<256x64xf32>
    }
    %while3A_168 = arith.constant 1 : i32
    %while3A_169:3 = scf.for %while3A_365 = %while3A_165 to %while3A_161 step %while3A_168 iter_args(%while3A_366 = %while3A_167#0, %while3A_367 = %while3A_167#1, %while3A_368 = %while3A_167#2) -> (vector<256x1xf32>, vector<256x1xf32>, vector<256x64xf32>)  : i32 {
      %mul3A_369 = arith.constant 256 : i32
      %mul3A_370 = arith.muli %while3A_365, %mul3A_369 : i32
      %get3A_371 = arith.index_cast %mul3A_370 : i32 to index
      %get3A_372 = arith.constant 320 : index
      %get3A_373 = vector.load %arg2[%get3A_371, %get3A_372] : memref<2048x768xbf16, #tpu.memory_space<vmem>>, vector<256x64xbf16>
      %mul3A_374 = arith.constant 256 : i32
      %mul3A_375 = arith.muli %while3A_365, %mul3A_374 : i32
      %get3A_376 = arith.index_cast %mul3A_375 : i32 to index
      %get3A_377 = arith.constant 320 : index
      %get3A_378 = vector.load %arg3[%get3A_376, %get3A_377] : memref<2048x768xbf16, #tpu.memory_space<vmem>>, vector<256x64xbf16>
      %dot_general3A = arith.constant dense<0.000000e+00> : vector<256x256xf32>
      %dot_general3A_379 = tpu.matmul %get3A_150, %get3A_373, %dot_general3A {dimension_numbers = #tpu.dot_dimension_numbers<[1], [1], [0], [0], [0, 0, 1, 0], [], []>, transpose_lhs_hint = false} : vector<256x64xbf16>, vector<256x64xbf16>, vector<256x256xf32> -> vector<256x256xf32>
      %mul3A_380 = arith.constant 1.250000e-01 : f32
      %mul3A_381 = vector.broadcast %mul3A_380 : f32 to vector<256x256xf32>
      %mul3A_382 = arith.mulf %dot_general3A_379, %mul3A_381 : vector<256x256xf32>
      %lt3A = arith.cmpi slt, %while3A_365, %arg0 : i32
      %or3A = vector.broadcast %lt3A : i1 to vector<256x256xi1>
      %or3A_383 = arith.ori %or3A, %ge3A : vector<256x256xi1>
      %jit3A = arith.constant -1.000000e+09 : f32
      %broadcast_in_dim3A_384 = vector.broadcast %jit3A : f32 to vector<256x256xf32>
      %select_n3A = arith.select %or3A_383, %mul3A_382, %broadcast_in_dim3A_384 : vector<256x256xi1>, vector<256x256xf32>
      %reduce_max3A = arith.constant dense<0xFF800000> : vector<256xf32>
      %reduce_max3A_385 = vector.multi_reduction <maximumf>, %select_n3A, %reduce_max3A [1] : vector<256x256xf32> to vector<256xf32>
      %broadcast_in_dim3A_386 = vector.shape_cast %reduce_max3A_385 : vector<256xf32> to vector<256x1xf32>
      %max3A = arith.maximumf %while3A_366, %broadcast_in_dim3A_386 : vector<256x1xf32>
      %sub3A = arith.subf %while3A_366, %max3A : vector<256x1xf32>
      %exp3A = math.exp %sub3A : vector<256x1xf32>
      %sub3A_387 = vector.broadcast %max3A : vector<256x1xf32> to vector<256x256xf32>
      %sub3A_388 = arith.subf %select_n3A, %sub3A_387 : vector<256x256xf32>
      %exp3A_389 = math.exp %sub3A_388 : vector<256x256xf32>
      %mul3A_390 = arith.mulf %while3A_367, %exp3A : vector<256x1xf32>
      %reduce_sum3A = arith.constant dense<0.000000e+00> : vector<256xf32>
      %reduce_sum3A_391 = vector.multi_reduction <add>, %exp3A_389, %reduce_sum3A [1] : vector<256x256xf32> to vector<256xf32>
      %broadcast_in_dim3A_392 = vector.shape_cast %reduce_sum3A_391 : vector<256xf32> to vector<256x1xf32>
      %add3A_393 = arith.addf %mul3A_390, %broadcast_in_dim3A_392 : vector<256x1xf32>
      %mul3A_394 = vector.broadcast %exp3A : vector<256x1xf32> to vector<256x64xf32>
      %mul3A_395 = arith.mulf %while3A_368, %mul3A_394 : vector<256x64xf32>
      %convert_element_type3A_396 = arith.truncf %exp3A_389 : vector<256x256xf32> to vector<256x256xbf16>
      %dot_general3A_397 = arith.constant dense<0.000000e+00> : vector<256x64xf32>
      %dot_general3A_398 = tpu.matmul %convert_element_type3A_396, %get3A_378, %dot_general3A_397 {dimension_numbers = #tpu.dot_dimension_numbers<[1], [0], [0], [1], [0, 0, 1, 1], [], []>, transpose_lhs_hint = false} : vector<256x256xbf16>, vector<256x64xbf16>, vector<256x64xf32> -> vector<256x64xf32>
      %add3A_399 = arith.addf %mul3A_395, %dot_general3A_398 : vector<256x64xf32>
      scf.yield %max3A, %add3A_393, %add3A_399 : vector<256x1xf32>, vector<256x1xf32>, vector<256x64xf32>
    }
    %div3A_170 = arith.constant 1.000000e+00 : f32
    %div3A_171 = vector.broadcast %div3A_170 : f32 to vector<256x1xf32>
    %div3A_172 = arith.divf %div3A_171, %while3A_169#1 : vector<256x1xf32>
    %mul3A_173 = vector.broadcast %div3A_172 : vector<256x1xf32> to vector<256x64xf32>
    %mul3A_174 = arith.mulf %while3A_169#2, %mul3A_173 : vector<256x64xf32>
    %convert_element_type3A_175 = arith.truncf %mul3A_174 : vector<256x64xf32> to vector<256x64xbf16>
    %swap3A_176 = arith.constant 0 : index
    %swap3A_177 = arith.constant 320 : index
    %swap3A_178 = vector.load %arg4[%swap3A_176, %swap3A_177] : memref<256x768xbf16, #tpu.memory_space<vmem>>, vector<256x64xbf16>
    tpu.vector_store %arg4[%swap3A_176, %swap3A_177], %convert_element_type3A_175 {strides = array<i32>} : memref<256x768xbf16, #tpu.memory_space<vmem>>, vector<256x64xbf16>,
    %get3A_179 = arith.constant 0 : index
    %get3A_180 = arith.constant 384 : index
    %get3A_181 = vector.load %arg1[%get3A_179, %get3A_180] : memref<256x768xbf16, #tpu.memory_space<vmem>>, vector<256x64xbf16>
    %broadcast_in_dim3A_182 = arith.constant -1.000000e+30 : f32
    %broadcast_in_dim3A_183 = vector.broadcast %broadcast_in_dim3A_182 : f32 to vector<256x1xf32>
    %broadcast_in_dim3A_184 = arith.constant 0.000000e+00 : f32
    %broadcast_in_dim3A_185 = vector.broadcast %broadcast_in_dim3A_184 : f32 to vector<256x1xf32>
    %broadcast_in_dim3A_186 = arith.constant 0.000000e+00 : f32
    %broadcast_in_dim3A_187 = vector.broadcast %broadcast_in_dim3A_186 : f32 to vector<256x64xf32>
    %add3A_188 = arith.constant 1 : i32
    %add3A_189 = arith.addi %arg0, %add3A_188 : i32
    %while3A_190 = arith.constant 0 : i32
    %while3A_191 = arith.subi %add3A_189, %while3A_190 : i32
    %while3A_192 = arith.addi %while3A_190, %while3A_191 : i32
    %while3A_193 = arith.constant 1 : i32
    %while3A_194 = arith.divsi %while3A_191, %while3A_193 : i32
    %while3A_195 = arith.muli %while3A_194, %while3A_193 : i32
    %while3A_196 = arith.addi %while3A_190, %while3A_195 : i32
    %while3A_197 = arith.constant 1 : i32
    %while3A_198:3 = scf.for %while3A_365 = %while3A_190 to %while3A_196 step %while3A_197 iter_args(%while3A_366 = %broadcast_in_dim3A_183, %while3A_367 = %broadcast_in_dim3A_185, %while3A_368 = %broadcast_in_dim3A_187) -> (vector<256x1xf32>, vector<256x1xf32>, vector<256x64xf32>)  : i32 {
      %mul3A_369 = arith.constant 256 : i32
      %mul3A_370 = arith.muli %while3A_365, %mul3A_369 : i32
      %get3A_371 = arith.index_cast %mul3A_370 : i32 to index
      %get3A_372 = arith.constant 384 : index
      %get3A_373 = vector.load %arg2[%get3A_371, %get3A_372] : memref<2048x768xbf16, #tpu.memory_space<vmem>>, vector<256x64xbf16>
      %mul3A_374 = arith.constant 256 : i32
      %mul3A_375 = arith.muli %while3A_365, %mul3A_374 : i32
      %get3A_376 = arith.index_cast %mul3A_375 : i32 to index
      %get3A_377 = arith.constant 384 : index
      %get3A_378 = vector.load %arg3[%get3A_376, %get3A_377] : memref<2048x768xbf16, #tpu.memory_space<vmem>>, vector<256x64xbf16>
      %dot_general3A = arith.constant dense<0.000000e+00> : vector<256x256xf32>
      %dot_general3A_379 = tpu.matmul %get3A_181, %get3A_373, %dot_general3A {dimension_numbers = #tpu.dot_dimension_numbers<[1], [1], [0], [0], [0, 0, 1, 0], [], []>, transpose_lhs_hint = false} : vector<256x64xbf16>, vector<256x64xbf16>, vector<256x256xf32> -> vector<256x256xf32>
      %mul3A_380 = arith.constant 1.250000e-01 : f32
      %mul3A_381 = vector.broadcast %mul3A_380 : f32 to vector<256x256xf32>
      %mul3A_382 = arith.mulf %dot_general3A_379, %mul3A_381 : vector<256x256xf32>
      %lt3A = arith.cmpi slt, %while3A_365, %arg0 : i32
      %or3A = vector.broadcast %lt3A : i1 to vector<256x256xi1>
      %or3A_383 = arith.ori %or3A, %ge3A : vector<256x256xi1>
      %jit3A = arith.constant -1.000000e+09 : f32
      %broadcast_in_dim3A_384 = vector.broadcast %jit3A : f32 to vector<256x256xf32>
      %select_n3A = arith.select %or3A_383, %mul3A_382, %broadcast_in_dim3A_384 : vector<256x256xi1>, vector<256x256xf32>
      %reduce_max3A = arith.constant dense<0xFF800000> : vector<256xf32>
      %reduce_max3A_385 = vector.multi_reduction <maximumf>, %select_n3A, %reduce_max3A [1] : vector<256x256xf32> to vector<256xf32>
      %broadcast_in_dim3A_386 = vector.shape_cast %reduce_max3A_385 : vector<256xf32> to vector<256x1xf32>
      %max3A = arith.maximumf %while3A_366, %broadcast_in_dim3A_386 : vector<256x1xf32>
      %sub3A = arith.subf %while3A_366, %max3A : vector<256x1xf32>
      %exp3A = math.exp %sub3A : vector<256x1xf32>
      %sub3A_387 = vector.broadcast %max3A : vector<256x1xf32> to vector<256x256xf32>
      %sub3A_388 = arith.subf %select_n3A, %sub3A_387 : vector<256x256xf32>
      %exp3A_389 = math.exp %sub3A_388 : vector<256x256xf32>
      %mul3A_390 = arith.mulf %while3A_367, %exp3A : vector<256x1xf32>
      %reduce_sum3A = arith.constant dense<0.000000e+00> : vector<256xf32>
      %reduce_sum3A_391 = vector.multi_reduction <add>, %exp3A_389, %reduce_sum3A [1] : vector<256x256xf32> to vector<256xf32>
      %broadcast_in_dim3A_392 = vector.shape_cast %reduce_sum3A_391 : vector<256xf32> to vector<256x1xf32>
      %add3A_393 = arith.addf %mul3A_390, %broadcast_in_dim3A_392 : vector<256x1xf32>
      %mul3A_394 = vector.broadcast %exp3A : vector<256x1xf32> to vector<256x64xf32>
      %mul3A_395 = arith.mulf %while3A_368, %mul3A_394 : vector<256x64xf32>
      %convert_element_type3A_396 = arith.truncf %exp3A_389 : vector<256x256xf32> to vector<256x256xbf16>
      %dot_general3A_397 = arith.constant dense<0.000000e+00> : vector<256x64xf32>
      %dot_general3A_398 = tpu.matmul %convert_element_type3A_396, %get3A_378, %dot_general3A_397 {dimension_numbers = #tpu.dot_dimension_numbers<[1], [0], [0], [1], [0, 0, 1, 1], [], []>, transpose_lhs_hint = false} : vector<256x256xbf16>, vector<256x64xbf16>, vector<256x64xf32> -> vector<256x64xf32>
      %add3A_399 = arith.addf %mul3A_395, %dot_general3A_398 : vector<256x64xf32>
      scf.yield %max3A, %add3A_393, %add3A_399 : vector<256x1xf32>, vector<256x1xf32>, vector<256x64xf32>
    }
    %while3A_199 = arith.constant 1 : i32
    %while3A_200:3 = scf.for %while3A_365 = %while3A_196 to %while3A_192 step %while3A_199 iter_args(%while3A_366 = %while3A_198#0, %while3A_367 = %while3A_198#1, %while3A_368 = %while3A_198#2) -> (vector<256x1xf32>, vector<256x1xf32>, vector<256x64xf32>)  : i32 {
      %mul3A_369 = arith.constant 256 : i32
      %mul3A_370 = arith.muli %while3A_365, %mul3A_369 : i32
      %get3A_371 = arith.index_cast %mul3A_370 : i32 to index
      %get3A_372 = arith.constant 384 : index
      %get3A_373 = vector.load %arg2[%get3A_371, %get3A_372] : memref<2048x768xbf16, #tpu.memory_space<vmem>>, vector<256x64xbf16>
      %mul3A_374 = arith.constant 256 : i32
      %mul3A_375 = arith.muli %while3A_365, %mul3A_374 : i32
      %get3A_376 = arith.index_cast %mul3A_375 : i32 to index
      %get3A_377 = arith.constant 384 : index
      %get3A_378 = vector.load %arg3[%get3A_376, %get3A_377] : memref<2048x768xbf16, #tpu.memory_space<vmem>>, vector<256x64xbf16>
      %dot_general3A = arith.constant dense<0.000000e+00> : vector<256x256xf32>
      %dot_general3A_379 = tpu.matmul %get3A_181, %get3A_373, %dot_general3A {dimension_numbers = #tpu.dot_dimension_numbers<[1], [1], [0], [0], [0, 0, 1, 0], [], []>, transpose_lhs_hint = false} : vector<256x64xbf16>, vector<256x64xbf16>, vector<256x256xf32> -> vector<256x256xf32>
      %mul3A_380 = arith.constant 1.250000e-01 : f32
      %mul3A_381 = vector.broadcast %mul3A_380 : f32 to vector<256x256xf32>
      %mul3A_382 = arith.mulf %dot_general3A_379, %mul3A_381 : vector<256x256xf32>
      %lt3A = arith.cmpi slt, %while3A_365, %arg0 : i32
      %or3A = vector.broadcast %lt3A : i1 to vector<256x256xi1>
      %or3A_383 = arith.ori %or3A, %ge3A : vector<256x256xi1>
      %jit3A = arith.constant -1.000000e+09 : f32
      %broadcast_in_dim3A_384 = vector.broadcast %jit3A : f32 to vector<256x256xf32>
      %select_n3A = arith.select %or3A_383, %mul3A_382, %broadcast_in_dim3A_384 : vector<256x256xi1>, vector<256x256xf32>
      %reduce_max3A = arith.constant dense<0xFF800000> : vector<256xf32>
      %reduce_max3A_385 = vector.multi_reduction <maximumf>, %select_n3A, %reduce_max3A [1] : vector<256x256xf32> to vector<256xf32>
      %broadcast_in_dim3A_386 = vector.shape_cast %reduce_max3A_385 : vector<256xf32> to vector<256x1xf32>
      %max3A = arith.maximumf %while3A_366, %broadcast_in_dim3A_386 : vector<256x1xf32>
      %sub3A = arith.subf %while3A_366, %max3A : vector<256x1xf32>
      %exp3A = math.exp %sub3A : vector<256x1xf32>
      %sub3A_387 = vector.broadcast %max3A : vector<256x1xf32> to vector<256x256xf32>
      %sub3A_388 = arith.subf %select_n3A, %sub3A_387 : vector<256x256xf32>
      %exp3A_389 = math.exp %sub3A_388 : vector<256x256xf32>
      %mul3A_390 = arith.mulf %while3A_367, %exp3A : vector<256x1xf32>
      %reduce_sum3A = arith.constant dense<0.000000e+00> : vector<256xf32>
      %reduce_sum3A_391 = vector.multi_reduction <add>, %exp3A_389, %reduce_sum3A [1] : vector<256x256xf32> to vector<256xf32>
      %broadcast_in_dim3A_392 = vector.shape_cast %reduce_sum3A_391 : vector<256xf32> to vector<256x1xf32>
      %add3A_393 = arith.addf %mul3A_390, %broadcast_in_dim3A_392 : vector<256x1xf32>
      %mul3A_394 = vector.broadcast %exp3A : vector<256x1xf32> to vector<256x64xf32>
      %mul3A_395 = arith.mulf %while3A_368, %mul3A_394 : vector<256x64xf32>
      %convert_element_type3A_396 = arith.truncf %exp3A_389 : vector<256x256xf32> to vector<256x256xbf16>
      %dot_general3A_397 = arith.constant dense<0.000000e+00> : vector<256x64xf32>
      %dot_general3A_398 = tpu.matmul %convert_element_type3A_396, %get3A_378, %dot_general3A_397 {dimension_numbers = #tpu.dot_dimension_numbers<[1], [0], [0], [1], [0, 0, 1, 1], [], []>, transpose_lhs_hint = false} : vector<256x256xbf16>, vector<256x64xbf16>, vector<256x64xf32> -> vector<256x64xf32>
      %add3A_399 = arith.addf %mul3A_395, %dot_general3A_398 : vector<256x64xf32>
      scf.yield %max3A, %add3A_393, %add3A_399 : vector<256x1xf32>, vector<256x1xf32>, vector<256x64xf32>
    }
    %div3A_201 = arith.constant 1.000000e+00 : f32
    %div3A_202 = vector.broadcast %div3A_201 : f32 to vector<256x1xf32>
    %div3A_203 = arith.divf %div3A_202, %while3A_200#1 : vector<256x1xf32>
    %mul3A_204 = vector.broadcast %div3A_203 : vector<256x1xf32> to vector<256x64xf32>
    %mul3A_205 = arith.mulf %while3A_200#2, %mul3A_204 : vector<256x64xf32>
    %convert_element_type3A_206 = arith.truncf %mul3A_205 : vector<256x64xf32> to vector<256x64xbf16>
    %swap3A_207 = arith.constant 0 : index
    %swap3A_208 = arith.constant 384 : index
    %swap3A_209 = vector.load %arg4[%swap3A_207, %swap3A_208] : memref<256x768xbf16, #tpu.memory_space<vmem>>, vector<256x64xbf16>
    tpu.vector_store %arg4[%swap3A_207, %swap3A_208], %convert_element_type3A_206 {strides = array<i32>} : memref<256x768xbf16, #tpu.memory_space<vmem>>, vector<256x64xbf16>,
    %get3A_210 = arith.constant 0 : index
    %get3A_211 = arith.constant 448 : index
    %get3A_212 = vector.load %arg1[%get3A_210, %get3A_211] : memref<256x768xbf16, #tpu.memory_space<vmem>>, vector<256x64xbf16>
    %broadcast_in_dim3A_213 = arith.constant -1.000000e+30 : f32
    %broadcast_in_dim3A_214 = vector.broadcast %broadcast_in_dim3A_213 : f32 to vector<256x1xf32>
    %broadcast_in_dim3A_215 = arith.constant 0.000000e+00 : f32
    %broadcast_in_dim3A_216 = vector.broadcast %broadcast_in_dim3A_215 : f32 to vector<256x1xf32>
    %broadcast_in_dim3A_217 = arith.constant 0.000000e+00 : f32
    %broadcast_in_dim3A_218 = vector.broadcast %broadcast_in_dim3A_217 : f32 to vector<256x64xf32>
    %add3A_219 = arith.constant 1 : i32
    %add3A_220 = arith.addi %arg0, %add3A_219 : i32
    %while3A_221 = arith.constant 0 : i32
    %while3A_222 = arith.subi %add3A_220, %while3A_221 : i32
    %while3A_223 = arith.addi %while3A_221, %while3A_222 : i32
    %while3A_224 = arith.constant 1 : i32
    %while3A_225 = arith.divsi %while3A_222, %while3A_224 : i32
    %while3A_226 = arith.muli %while3A_225, %while3A_224 : i32
    %while3A_227 = arith.addi %while3A_221, %while3A_226 : i32
    %while3A_228 = arith.constant 1 : i32
    %while3A_229:3 = scf.for %while3A_365 = %while3A_221 to %while3A_227 step %while3A_228 iter_args(%while3A_366 = %broadcast_in_dim3A_214, %while3A_367 = %broadcast_in_dim3A_216, %while3A_368 = %broadcast_in_dim3A_218) -> (vector<256x1xf32>, vector<256x1xf32>, vector<256x64xf32>)  : i32 {
      %mul3A_369 = arith.constant 256 : i32
      %mul3A_370 = arith.muli %while3A_365, %mul3A_369 : i32
      %get3A_371 = arith.index_cast %mul3A_370 : i32 to index
      %get3A_372 = arith.constant 448 : index
      %get3A_373 = vector.load %arg2[%get3A_371, %get3A_372] : memref<2048x768xbf16, #tpu.memory_space<vmem>>, vector<256x64xbf16>
      %mul3A_374 = arith.constant 256 : i32
      %mul3A_375 = arith.muli %while3A_365, %mul3A_374 : i32
      %get3A_376 = arith.index_cast %mul3A_375 : i32 to index
      %get3A_377 = arith.constant 448 : index
      %get3A_378 = vector.load %arg3[%get3A_376, %get3A_377] : memref<2048x768xbf16, #tpu.memory_space<vmem>>, vector<256x64xbf16>
      %dot_general3A = arith.constant dense<0.000000e+00> : vector<256x256xf32>
      %dot_general3A_379 = tpu.matmul %get3A_212, %get3A_373, %dot_general3A {dimension_numbers = #tpu.dot_dimension_numbers<[1], [1], [0], [0], [0, 0, 1, 0], [], []>, transpose_lhs_hint = false} : vector<256x64xbf16>, vector<256x64xbf16>, vector<256x256xf32> -> vector<256x256xf32>
      %mul3A_380 = arith.constant 1.250000e-01 : f32
      %mul3A_381 = vector.broadcast %mul3A_380 : f32 to vector<256x256xf32>
      %mul3A_382 = arith.mulf %dot_general3A_379, %mul3A_381 : vector<256x256xf32>
      %lt3A = arith.cmpi slt, %while3A_365, %arg0 : i32
      %or3A = vector.broadcast %lt3A : i1 to vector<256x256xi1>
      %or3A_383 = arith.ori %or3A, %ge3A : vector<256x256xi1>
      %jit3A = arith.constant -1.000000e+09 : f32
      %broadcast_in_dim3A_384 = vector.broadcast %jit3A : f32 to vector<256x256xf32>
      %select_n3A = arith.select %or3A_383, %mul3A_382, %broadcast_in_dim3A_384 : vector<256x256xi1>, vector<256x256xf32>
      %reduce_max3A = arith.constant dense<0xFF800000> : vector<256xf32>
      %reduce_max3A_385 = vector.multi_reduction <maximumf>, %select_n3A, %reduce_max3A [1] : vector<256x256xf32> to vector<256xf32>
      %broadcast_in_dim3A_386 = vector.shape_cast %reduce_max3A_385 : vector<256xf32> to vector<256x1xf32>
      %max3A = arith.maximumf %while3A_366, %broadcast_in_dim3A_386 : vector<256x1xf32>
      %sub3A = arith.subf %while3A_366, %max3A : vector<256x1xf32>
      %exp3A = math.exp %sub3A : vector<256x1xf32>
      %sub3A_387 = vector.broadcast %max3A : vector<256x1xf32> to vector<256x256xf32>
      %sub3A_388 = arith.subf %select_n3A, %sub3A_387 : vector<256x256xf32>
      %exp3A_389 = math.exp %sub3A_388 : vector<256x256xf32>
      %mul3A_390 = arith.mulf %while3A_367, %exp3A : vector<256x1xf32>
      %reduce_sum3A = arith.constant dense<0.000000e+00> : vector<256xf32>
      %reduce_sum3A_391 = vector.multi_reduction <add>, %exp3A_389, %reduce_sum3A [1] : vector<256x256xf32> to vector<256xf32>
      %broadcast_in_dim3A_392 = vector.shape_cast %reduce_sum3A_391 : vector<256xf32> to vector<256x1xf32>
      %add3A_393 = arith.addf %mul3A_390, %broadcast_in_dim3A_392 : vector<256x1xf32>
      %mul3A_394 = vector.broadcast %exp3A : vector<256x1xf32> to vector<256x64xf32>
      %mul3A_395 = arith.mulf %while3A_368, %mul3A_394 : vector<256x64xf32>
      %convert_element_type3A_396 = arith.truncf %exp3A_389 : vector<256x256xf32> to vector<256x256xbf16>
      %dot_general3A_397 = arith.constant dense<0.000000e+00> : vector<256x64xf32>
      %dot_general3A_398 = tpu.matmul %convert_element_type3A_396, %get3A_378, %dot_general3A_397 {dimension_numbers = #tpu.dot_dimension_numbers<[1], [0], [0], [1], [0, 0, 1, 1], [], []>, transpose_lhs_hint = false} : vector<256x256xbf16>, vector<256x64xbf16>, vector<256x64xf32> -> vector<256x64xf32>
      %add3A_399 = arith.addf %mul3A_395, %dot_general3A_398 : vector<256x64xf32>
      scf.yield %max3A, %add3A_393, %add3A_399 : vector<256x1xf32>, vector<256x1xf32>, vector<256x64xf32>
    }
    %while3A_230 = arith.constant 1 : i32
    %while3A_231:3 = scf.for %while3A_365 = %while3A_227 to %while3A_223 step %while3A_230 iter_args(%while3A_366 = %while3A_229#0, %while3A_367 = %while3A_229#1, %while3A_368 = %while3A_229#2) -> (vector<256x1xf32>, vector<256x1xf32>, vector<256x64xf32>)  : i32 {
      %mul3A_369 = arith.constant 256 : i32
      %mul3A_370 = arith.muli %while3A_365, %mul3A_369 : i32
      %get3A_371 = arith.index_cast %mul3A_370 : i32 to index
      %get3A_372 = arith.constant 448 : index
      %get3A_373 = vector.load %arg2[%get3A_371, %get3A_372] : memref<2048x768xbf16, #tpu.memory_space<vmem>>, vector<256x64xbf16>
      %mul3A_374 = arith.constant 256 : i32
      %mul3A_375 = arith.muli %while3A_365, %mul3A_374 : i32
      %get3A_376 = arith.index_cast %mul3A_375 : i32 to index
      %get3A_377 = arith.constant 448 : index
      %get3A_378 = vector.load %arg3[%get3A_376, %get3A_377] : memref<2048x768xbf16, #tpu.memory_space<vmem>>, vector<256x64xbf16>
      %dot_general3A = arith.constant dense<0.000000e+00> : vector<256x256xf32>
      %dot_general3A_379 = tpu.matmul %get3A_212, %get3A_373, %dot_general3A {dimension_numbers = #tpu.dot_dimension_numbers<[1], [1], [0], [0], [0, 0, 1, 0], [], []>, transpose_lhs_hint = false} : vector<256x64xbf16>, vector<256x64xbf16>, vector<256x256xf32> -> vector<256x256xf32>
      %mul3A_380 = arith.constant 1.250000e-01 : f32
      %mul3A_381 = vector.broadcast %mul3A_380 : f32 to vector<256x256xf32>
      %mul3A_382 = arith.mulf %dot_general3A_379, %mul3A_381 : vector<256x256xf32>
      %lt3A = arith.cmpi slt, %while3A_365, %arg0 : i32
      %or3A = vector.broadcast %lt3A : i1 to vector<256x256xi1>
      %or3A_383 = arith.ori %or3A, %ge3A : vector<256x256xi1>
      %jit3A = arith.constant -1.000000e+09 : f32
      %broadcast_in_dim3A_384 = vector.broadcast %jit3A : f32 to vector<256x256xf32>
      %select_n3A = arith.select %or3A_383, %mul3A_382, %broadcast_in_dim3A_384 : vector<256x256xi1>, vector<256x256xf32>
      %reduce_max3A = arith.constant dense<0xFF800000> : vector<256xf32>
      %reduce_max3A_385 = vector.multi_reduction <maximumf>, %select_n3A, %reduce_max3A [1] : vector<256x256xf32> to vector<256xf32>
      %broadcast_in_dim3A_386 = vector.shape_cast %reduce_max3A_385 : vector<256xf32> to vector<256x1xf32>
      %max3A = arith.maximumf %while3A_366, %broadcast_in_dim3A_386 : vector<256x1xf32>
      %sub3A = arith.subf %while3A_366, %max3A : vector<256x1xf32>
      %exp3A = math.exp %sub3A : vector<256x1xf32>
      %sub3A_387 = vector.broadcast %max3A : vector<256x1xf32> to vector<256x256xf32>
      %sub3A_388 = arith.subf %select_n3A, %sub3A_387 : vector<256x256xf32>
      %exp3A_389 = math.exp %sub3A_388 : vector<256x256xf32>
      %mul3A_390 = arith.mulf %while3A_367, %exp3A : vector<256x1xf32>
      %reduce_sum3A = arith.constant dense<0.000000e+00> : vector<256xf32>
      %reduce_sum3A_391 = vector.multi_reduction <add>, %exp3A_389, %reduce_sum3A [1] : vector<256x256xf32> to vector<256xf32>
      %broadcast_in_dim3A_392 = vector.shape_cast %reduce_sum3A_391 : vector<256xf32> to vector<256x1xf32>
      %add3A_393 = arith.addf %mul3A_390, %broadcast_in_dim3A_392 : vector<256x1xf32>
      %mul3A_394 = vector.broadcast %exp3A : vector<256x1xf32> to vector<256x64xf32>
      %mul3A_395 = arith.mulf %while3A_368, %mul3A_394 : vector<256x64xf32>
      %convert_element_type3A_396 = arith.truncf %exp3A_389 : vector<256x256xf32> to vector<256x256xbf16>
      %dot_general3A_397 = arith.constant dense<0.000000e+00> : vector<256x64xf32>
      %dot_general3A_398 = tpu.matmul %convert_element_type3A_396, %get3A_378, %dot_general3A_397 {dimension_numbers = #tpu.dot_dimension_numbers<[1], [0], [0], [1], [0, 0, 1, 1], [], []>, transpose_lhs_hint = false} : vector<256x256xbf16>, vector<256x64xbf16>, vector<256x64xf32> -> vector<256x64xf32>
      %add3A_399 = arith.addf %mul3A_395, %dot_general3A_398 : vector<256x64xf32>
      scf.yield %max3A, %add3A_393, %add3A_399 : vector<256x1xf32>, vector<256x1xf32>, vector<256x64xf32>
    }
    %div3A_232 = arith.constant 1.000000e+00 : f32
    %div3A_233 = vector.broadcast %div3A_232 : f32 to vector<256x1xf32>
    %div3A_234 = arith.divf %div3A_233, %while3A_231#1 : vector<256x1xf32>
    %mul3A_235 = vector.broadcast %div3A_234 : vector<256x1xf32> to vector<256x64xf32>
    %mul3A_236 = arith.mulf %while3A_231#2, %mul3A_235 : vector<256x64xf32>
    %convert_element_type3A_237 = arith.truncf %mul3A_236 : vector<256x64xf32> to vector<256x64xbf16>
    %swap3A_238 = arith.constant 0 : index
    %swap3A_239 = arith.constant 448 : index
    %swap3A_240 = vector.load %arg4[%swap3A_238, %swap3A_239] : memref<256x768xbf16, #tpu.memory_space<vmem>>, vector<256x64xbf16>
    tpu.vector_store %arg4[%swap3A_238, %swap3A_239], %convert_element_type3A_237 {strides = array<i32>} : memref<256x768xbf16, #tpu.memory_space<vmem>>, vector<256x64xbf16>,
    %get3A_241 = arith.constant 0 : index
    %get3A_242 = arith.constant 512 : index
    %get3A_243 = vector.load %arg1[%get3A_241, %get3A_242] : memref<256x768xbf16, #tpu.memory_space<vmem>>, vector<256x64xbf16>
    %broadcast_in_dim3A_244 = arith.constant -1.000000e+30 : f32
    %broadcast_in_dim3A_245 = vector.broadcast %broadcast_in_dim3A_244 : f32 to vector<256x1xf32>
    %broadcast_in_dim3A_246 = arith.constant 0.000000e+00 : f32
    %broadcast_in_dim3A_247 = vector.broadcast %broadcast_in_dim3A_246 : f32 to vector<256x1xf32>
    %broadcast_in_dim3A_248 = arith.constant 0.000000e+00 : f32
    %broadcast_in_dim3A_249 = vector.broadcast %broadcast_in_dim3A_248 : f32 to vector<256x64xf32>
    %add3A_250 = arith.constant 1 : i32
    %add3A_251 = arith.addi %arg0, %add3A_250 : i32
    %while3A_252 = arith.constant 0 : i32
    %while3A_253 = arith.subi %add3A_251, %while3A_252 : i32
    %while3A_254 = arith.addi %while3A_252, %while3A_253 : i32
    %while3A_255 = arith.constant 1 : i32
    %while3A_256 = arith.divsi %while3A_253, %while3A_255 : i32
    %while3A_257 = arith.muli %while3A_256, %while3A_255 : i32
    %while3A_258 = arith.addi %while3A_252, %while3A_257 : i32
    %while3A_259 = arith.constant 1 : i32
    %while3A_260:3 = scf.for %while3A_365 = %while3A_252 to %while3A_258 step %while3A_259 iter_args(%while3A_366 = %broadcast_in_dim3A_245, %while3A_367 = %broadcast_in_dim3A_247, %while3A_368 = %broadcast_in_dim3A_249) -> (vector<256x1xf32>, vector<256x1xf32>, vector<256x64xf32>)  : i32 {
      %mul3A_369 = arith.constant 256 : i32
      %mul3A_370 = arith.muli %while3A_365, %mul3A_369 : i32
      %get3A_371 = arith.index_cast %mul3A_370 : i32 to index
      %get3A_372 = arith.constant 512 : index
      %get3A_373 = vector.load %arg2[%get3A_371, %get3A_372] : memref<2048x768xbf16, #tpu.memory_space<vmem>>, vector<256x64xbf16>
      %mul3A_374 = arith.constant 256 : i32
      %mul3A_375 = arith.muli %while3A_365, %mul3A_374 : i32
      %get3A_376 = arith.index_cast %mul3A_375 : i32 to index
      %get3A_377 = arith.constant 512 : index
      %get3A_378 = vector.load %arg3[%get3A_376, %get3A_377] : memref<2048x768xbf16, #tpu.memory_space<vmem>>, vector<256x64xbf16>
      %dot_general3A = arith.constant dense<0.000000e+00> : vector<256x256xf32>
      %dot_general3A_379 = tpu.matmul %get3A_243, %get3A_373, %dot_general3A {dimension_numbers = #tpu.dot_dimension_numbers<[1], [1], [0], [0], [0, 0, 1, 0], [], []>, transpose_lhs_hint = false} : vector<256x64xbf16>, vector<256x64xbf16>, vector<256x256xf32> -> vector<256x256xf32>
      %mul3A_380 = arith.constant 1.250000e-01 : f32
      %mul3A_381 = vector.broadcast %mul3A_380 : f32 to vector<256x256xf32>
      %mul3A_382 = arith.mulf %dot_general3A_379, %mul3A_381 : vector<256x256xf32>
      %lt3A = arith.cmpi slt, %while3A_365, %arg0 : i32
      %or3A = vector.broadcast %lt3A : i1 to vector<256x256xi1>
      %or3A_383 = arith.ori %or3A, %ge3A : vector<256x256xi1>
      %jit3A = arith.constant -1.000000e+09 : f32
      %broadcast_in_dim3A_384 = vector.broadcast %jit3A : f32 to vector<256x256xf32>
      %select_n3A = arith.select %or3A_383, %mul3A_382, %broadcast_in_dim3A_384 : vector<256x256xi1>, vector<256x256xf32>
      %reduce_max3A = arith.constant dense<0xFF800000> : vector<256xf32>
      %reduce_max3A_385 = vector.multi_reduction <maximumf>, %select_n3A, %reduce_max3A [1] : vector<256x256xf32> to vector<256xf32>
      %broadcast_in_dim3A_386 = vector.shape_cast %reduce_max3A_385 : vector<256xf32> to vector<256x1xf32>
      %max3A = arith.maximumf %while3A_366, %broadcast_in_dim3A_386 : vector<256x1xf32>
      %sub3A = arith.subf %while3A_366, %max3A : vector<256x1xf32>
      %exp3A = math.exp %sub3A : vector<256x1xf32>
      %sub3A_387 = vector.broadcast %max3A : vector<256x1xf32> to vector<256x256xf32>
      %sub3A_388 = arith.subf %select_n3A, %sub3A_387 : vector<256x256xf32>
      %exp3A_389 = math.exp %sub3A_388 : vector<256x256xf32>
      %mul3A_390 = arith.mulf %while3A_367, %exp3A : vector<256x1xf32>
      %reduce_sum3A = arith.constant dense<0.000000e+00> : vector<256xf32>
      %reduce_sum3A_391 = vector.multi_reduction <add>, %exp3A_389, %reduce_sum3A [1] : vector<256x256xf32> to vector<256xf32>
      %broadcast_in_dim3A_392 = vector.shape_cast %reduce_sum3A_391 : vector<256xf32> to vector<256x1xf32>
      %add3A_393 = arith.addf %mul3A_390, %broadcast_in_dim3A_392 : vector<256x1xf32>
      %mul3A_394 = vector.broadcast %exp3A : vector<256x1xf32> to vector<256x64xf32>
      %mul3A_395 = arith.mulf %while3A_368, %mul3A_394 : vector<256x64xf32>
      %convert_element_type3A_396 = arith.truncf %exp3A_389 : vector<256x256xf32> to vector<256x256xbf16>
      %dot_general3A_397 = arith.constant dense<0.000000e+00> : vector<256x64xf32>
      %dot_general3A_398 = tpu.matmul %convert_element_type3A_396, %get3A_378, %dot_general3A_397 {dimension_numbers = #tpu.dot_dimension_numbers<[1], [0], [0], [1], [0, 0, 1, 1], [], []>, transpose_lhs_hint = false} : vector<256x256xbf16>, vector<256x64xbf16>, vector<256x64xf32> -> vector<256x64xf32>
      %add3A_399 = arith.addf %mul3A_395, %dot_general3A_398 : vector<256x64xf32>
      scf.yield %max3A, %add3A_393, %add3A_399 : vector<256x1xf32>, vector<256x1xf32>, vector<256x64xf32>
    }
    %while3A_261 = arith.constant 1 : i32
    %while3A_262:3 = scf.for %while3A_365 = %while3A_258 to %while3A_254 step %while3A_261 iter_args(%while3A_366 = %while3A_260#0, %while3A_367 = %while3A_260#1, %while3A_368 = %while3A_260#2) -> (vector<256x1xf32>, vector<256x1xf32>, vector<256x64xf32>)  : i32 {
      %mul3A_369 = arith.constant 256 : i32
      %mul3A_370 = arith.muli %while3A_365, %mul3A_369 : i32
      %get3A_371 = arith.index_cast %mul3A_370 : i32 to index
      %get3A_372 = arith.constant 512 : index
      %get3A_373 = vector.load %arg2[%get3A_371, %get3A_372] : memref<2048x768xbf16, #tpu.memory_space<vmem>>, vector<256x64xbf16>
      %mul3A_374 = arith.constant 256 : i32
      %mul3A_375 = arith.muli %while3A_365, %mul3A_374 : i32
      %get3A_376 = arith.index_cast %mul3A_375 : i32 to index
      %get3A_377 = arith.constant 512 : index
      %get3A_378 = vector.load %arg3[%get3A_376, %get3A_377] : memref<2048x768xbf16, #tpu.memory_space<vmem>>, vector<256x64xbf16>
      %dot_general3A = arith.constant dense<0.000000e+00> : vector<256x256xf32>
      %dot_general3A_379 = tpu.matmul %get3A_243, %get3A_373, %dot_general3A {dimension_numbers = #tpu.dot_dimension_numbers<[1], [1], [0], [0], [0, 0, 1, 0], [], []>, transpose_lhs_hint = false} : vector<256x64xbf16>, vector<256x64xbf16>, vector<256x256xf32> -> vector<256x256xf32>
      %mul3A_380 = arith.constant 1.250000e-01 : f32
      %mul3A_381 = vector.broadcast %mul3A_380 : f32 to vector<256x256xf32>
      %mul3A_382 = arith.mulf %dot_general3A_379, %mul3A_381 : vector<256x256xf32>
      %lt3A = arith.cmpi slt, %while3A_365, %arg0 : i32
      %or3A = vector.broadcast %lt3A : i1 to vector<256x256xi1>
      %or3A_383 = arith.ori %or3A, %ge3A : vector<256x256xi1>
      %jit3A = arith.constant -1.000000e+09 : f32
      %broadcast_in_dim3A_384 = vector.broadcast %jit3A : f32 to vector<256x256xf32>
      %select_n3A = arith.select %or3A_383, %mul3A_382, %broadcast_in_dim3A_384 : vector<256x256xi1>, vector<256x256xf32>
      %reduce_max3A = arith.constant dense<0xFF800000> : vector<256xf32>
      %reduce_max3A_385 = vector.multi_reduction <maximumf>, %select_n3A, %reduce_max3A [1] : vector<256x256xf32> to vector<256xf32>
      %broadcast_in_dim3A_386 = vector.shape_cast %reduce_max3A_385 : vector<256xf32> to vector<256x1xf32>
      %max3A = arith.maximumf %while3A_366, %broadcast_in_dim3A_386 : vector<256x1xf32>
      %sub3A = arith.subf %while3A_366, %max3A : vector<256x1xf32>
      %exp3A = math.exp %sub3A : vector<256x1xf32>
      %sub3A_387 = vector.broadcast %max3A : vector<256x1xf32> to vector<256x256xf32>
      %sub3A_388 = arith.subf %select_n3A, %sub3A_387 : vector<256x256xf32>
      %exp3A_389 = math.exp %sub3A_388 : vector<256x256xf32>
      %mul3A_390 = arith.mulf %while3A_367, %exp3A : vector<256x1xf32>
      %reduce_sum3A = arith.constant dense<0.000000e+00> : vector<256xf32>
      %reduce_sum3A_391 = vector.multi_reduction <add>, %exp3A_389, %reduce_sum3A [1] : vector<256x256xf32> to vector<256xf32>
      %broadcast_in_dim3A_392 = vector.shape_cast %reduce_sum3A_391 : vector<256xf32> to vector<256x1xf32>
      %add3A_393 = arith.addf %mul3A_390, %broadcast_in_dim3A_392 : vector<256x1xf32>
      %mul3A_394 = vector.broadcast %exp3A : vector<256x1xf32> to vector<256x64xf32>
      %mul3A_395 = arith.mulf %while3A_368, %mul3A_394 : vector<256x64xf32>
      %convert_element_type3A_396 = arith.truncf %exp3A_389 : vector<256x256xf32> to vector<256x256xbf16>
      %dot_general3A_397 = arith.constant dense<0.000000e+00> : vector<256x64xf32>
      %dot_general3A_398 = tpu.matmul %convert_element_type3A_396, %get3A_378, %dot_general3A_397 {dimension_numbers = #tpu.dot_dimension_numbers<[1], [0], [0], [1], [0, 0, 1, 1], [], []>, transpose_lhs_hint = false} : vector<256x256xbf16>, vector<256x64xbf16>, vector<256x64xf32> -> vector<256x64xf32>
      %add3A_399 = arith.addf %mul3A_395, %dot_general3A_398 : vector<256x64xf32>
      scf.yield %max3A, %add3A_393, %add3A_399 : vector<256x1xf32>, vector<256x1xf32>, vector<256x64xf32>
    }
    %div3A_263 = arith.constant 1.000000e+00 : f32
    %div3A_264 = vector.broadcast %div3A_263 : f32 to vector<256x1xf32>
    %div3A_265 = arith.divf %div3A_264, %while3A_262#1 : vector<256x1xf32>
    %mul3A_266 = vector.broadcast %div3A_265 : vector<256x1xf32> to vector<256x64xf32>
    %mul3A_267 = arith.mulf %while3A_262#2, %mul3A_266 : vector<256x64xf32>
    %convert_element_type3A_268 = arith.truncf %mul3A_267 : vector<256x64xf32> to vector<256x64xbf16>
    %swap3A_269 = arith.constant 0 : index
    %swap3A_270 = arith.constant 512 : index
    %swap3A_271 = vector.load %arg4[%swap3A_269, %swap3A_270] : memref<256x768xbf16, #tpu.memory_space<vmem>>, vector<256x64xbf16>
    tpu.vector_store %arg4[%swap3A_269, %swap3A_270], %convert_element_type3A_268 {strides = array<i32>} : memref<256x768xbf16, #tpu.memory_space<vmem>>, vector<256x64xbf16>,
    %get3A_272 = arith.constant 0 : index
    %get3A_273 = arith.constant 576 : index
    %get3A_274 = vector.load %arg1[%get3A_272, %get3A_273] : memref<256x768xbf16, #tpu.memory_space<vmem>>, vector<256x64xbf16>
    %broadcast_in_dim3A_275 = arith.constant -1.000000e+30 : f32
    %broadcast_in_dim3A_276 = vector.broadcast %broadcast_in_dim3A_275 : f32 to vector<256x1xf32>
    %broadcast_in_dim3A_277 = arith.constant 0.000000e+00 : f32
    %broadcast_in_dim3A_278 = vector.broadcast %broadcast_in_dim3A_277 : f32 to vector<256x1xf32>
    %broadcast_in_dim3A_279 = arith.constant 0.000000e+00 : f32
    %broadcast_in_dim3A_280 = vector.broadcast %broadcast_in_dim3A_279 : f32 to vector<256x64xf32>
    %add3A_281 = arith.constant 1 : i32
    %add3A_282 = arith.addi %arg0, %add3A_281 : i32
    %while3A_283 = arith.constant 0 : i32
    %while3A_284 = arith.subi %add3A_282, %while3A_283 : i32
    %while3A_285 = arith.addi %while3A_283, %while3A_284 : i32
    %while3A_286 = arith.constant 1 : i32
    %while3A_287 = arith.divsi %while3A_284, %while3A_286 : i32
    %while3A_288 = arith.muli %while3A_287, %while3A_286 : i32
    %while3A_289 = arith.addi %while3A_283, %while3A_288 : i32
    %while3A_290 = arith.constant 1 : i32
    %while3A_291:3 = scf.for %while3A_365 = %while3A_283 to %while3A_289 step %while3A_290 iter_args(%while3A_366 = %broadcast_in_dim3A_276, %while3A_367 = %broadcast_in_dim3A_278, %while3A_368 = %broadcast_in_dim3A_280) -> (vector<256x1xf32>, vector<256x1xf32>, vector<256x64xf32>)  : i32 {
      %mul3A_369 = arith.constant 256 : i32
      %mul3A_370 = arith.muli %while3A_365, %mul3A_369 : i32
      %get3A_371 = arith.index_cast %mul3A_370 : i32 to index
      %get3A_372 = arith.constant 576 : index
      %get3A_373 = vector.load %arg2[%get3A_371, %get3A_372] : memref<2048x768xbf16, #tpu.memory_space<vmem>>, vector<256x64xbf16>
      %mul3A_374 = arith.constant 256 : i32
      %mul3A_375 = arith.muli %while3A_365, %mul3A_374 : i32
      %get3A_376 = arith.index_cast %mul3A_375 : i32 to index
      %get3A_377 = arith.constant 576 : index
      %get3A_378 = vector.load %arg3[%get3A_376, %get3A_377] : memref<2048x768xbf16, #tpu.memory_space<vmem>>, vector<256x64xbf16>
      %dot_general3A = arith.constant dense<0.000000e+00> : vector<256x256xf32>
      %dot_general3A_379 = tpu.matmul %get3A_274, %get3A_373, %dot_general3A {dimension_numbers = #tpu.dot_dimension_numbers<[1], [1], [0], [0], [0, 0, 1, 0], [], []>, transpose_lhs_hint = false} : vector<256x64xbf16>, vector<256x64xbf16>, vector<256x256xf32> -> vector<256x256xf32>
      %mul3A_380 = arith.constant 1.250000e-01 : f32
      %mul3A_381 = vector.broadcast %mul3A_380 : f32 to vector<256x256xf32>
      %mul3A_382 = arith.mulf %dot_general3A_379, %mul3A_381 : vector<256x256xf32>
      %lt3A = arith.cmpi slt, %while3A_365, %arg0 : i32
      %or3A = vector.broadcast %lt3A : i1 to vector<256x256xi1>
      %or3A_383 = arith.ori %or3A, %ge3A : vector<256x256xi1>
      %jit3A = arith.constant -1.000000e+09 : f32
      %broadcast_in_dim3A_384 = vector.broadcast %jit3A : f32 to vector<256x256xf32>
      %select_n3A = arith.select %or3A_383, %mul3A_382, %broadcast_in_dim3A_384 : vector<256x256xi1>, vector<256x256xf32>
      %reduce_max3A = arith.constant dense<0xFF800000> : vector<256xf32>
      %reduce_max3A_385 = vector.multi_reduction <maximumf>, %select_n3A, %reduce_max3A [1] : vector<256x256xf32> to vector<256xf32>
      %broadcast_in_dim3A_386 = vector.shape_cast %reduce_max3A_385 : vector<256xf32> to vector<256x1xf32>
      %max3A = arith.maximumf %while3A_366, %broadcast_in_dim3A_386 : vector<256x1xf32>
      %sub3A = arith.subf %while3A_366, %max3A : vector<256x1xf32>
      %exp3A = math.exp %sub3A : vector<256x1xf32>
      %sub3A_387 = vector.broadcast %max3A : vector<256x1xf32> to vector<256x256xf32>
      %sub3A_388 = arith.subf %select_n3A, %sub3A_387 : vector<256x256xf32>
      %exp3A_389 = math.exp %sub3A_388 : vector<256x256xf32>
      %mul3A_390 = arith.mulf %while3A_367, %exp3A : vector<256x1xf32>
      %reduce_sum3A = arith.constant dense<0.000000e+00> : vector<256xf32>
      %reduce_sum3A_391 = vector.multi_reduction <add>, %exp3A_389, %reduce_sum3A [1] : vector<256x256xf32> to vector<256xf32>
      %broadcast_in_dim3A_392 = vector.shape_cast %reduce_sum3A_391 : vector<256xf32> to vector<256x1xf32>
      %add3A_393 = arith.addf %mul3A_390, %broadcast_in_dim3A_392 : vector<256x1xf32>
      %mul3A_394 = vector.broadcast %exp3A : vector<256x1xf32> to vector<256x64xf32>
      %mul3A_395 = arith.mulf %while3A_368, %mul3A_394 : vector<256x64xf32>
      %convert_element_type3A_396 = arith.truncf %exp3A_389 : vector<256x256xf32> to vector<256x256xbf16>
      %dot_general3A_397 = arith.constant dense<0.000000e+00> : vector<256x64xf32>
      %dot_general3A_398 = tpu.matmul %convert_element_type3A_396, %get3A_378, %dot_general3A_397 {dimension_numbers = #tpu.dot_dimension_numbers<[1], [0], [0], [1], [0, 0, 1, 1], [], []>, transpose_lhs_hint = false} : vector<256x256xbf16>, vector<256x64xbf16>, vector<256x64xf32> -> vector<256x64xf32>
      %add3A_399 = arith.addf %mul3A_395, %dot_general3A_398 : vector<256x64xf32>
      scf.yield %max3A, %add3A_393, %add3A_399 : vector<256x1xf32>, vector<256x1xf32>, vector<256x64xf32>
    }
    %while3A_292 = arith.constant 1 : i32
    %while3A_293:3 = scf.for %while3A_365 = %while3A_289 to %while3A_285 step %while3A_292 iter_args(%while3A_366 = %while3A_291#0, %while3A_367 = %while3A_291#1, %while3A_368 = %while3A_291#2) -> (vector<256x1xf32>, vector<256x1xf32>, vector<256x64xf32>)  : i32 {
      %mul3A_369 = arith.constant 256 : i32
      %mul3A_370 = arith.muli %while3A_365, %mul3A_369 : i32
      %get3A_371 = arith.index_cast %mul3A_370 : i32 to index
      %get3A_372 = arith.constant 576 : index
      %get3A_373 = vector.load %arg2[%get3A_371, %get3A_372] : memref<2048x768xbf16, #tpu.memory_space<vmem>>, vector<256x64xbf16>
      %mul3A_374 = arith.constant 256 : i32
      %mul3A_375 = arith.muli %while3A_365, %mul3A_374 : i32
      %get3A_376 = arith.index_cast %mul3A_375 : i32 to index
      %get3A_377 = arith.constant 576 : index
      %get3A_378 = vector.load %arg3[%get3A_376, %get3A_377] : memref<2048x768xbf16, #tpu.memory_space<vmem>>, vector<256x64xbf16>
      %dot_general3A = arith.constant dense<0.000000e+00> : vector<256x256xf32>
      %dot_general3A_379 = tpu.matmul %get3A_274, %get3A_373, %dot_general3A {dimension_numbers = #tpu.dot_dimension_numbers<[1], [1], [0], [0], [0, 0, 1, 0], [], []>, transpose_lhs_hint = false} : vector<256x64xbf16>, vector<256x64xbf16>, vector<256x256xf32> -> vector<256x256xf32>
      %mul3A_380 = arith.constant 1.250000e-01 : f32
      %mul3A_381 = vector.broadcast %mul3A_380 : f32 to vector<256x256xf32>
      %mul3A_382 = arith.mulf %dot_general3A_379, %mul3A_381 : vector<256x256xf32>
      %lt3A = arith.cmpi slt, %while3A_365, %arg0 : i32
      %or3A = vector.broadcast %lt3A : i1 to vector<256x256xi1>
      %or3A_383 = arith.ori %or3A, %ge3A : vector<256x256xi1>
      %jit3A = arith.constant -1.000000e+09 : f32
      %broadcast_in_dim3A_384 = vector.broadcast %jit3A : f32 to vector<256x256xf32>
      %select_n3A = arith.select %or3A_383, %mul3A_382, %broadcast_in_dim3A_384 : vector<256x256xi1>, vector<256x256xf32>
      %reduce_max3A = arith.constant dense<0xFF800000> : vector<256xf32>
      %reduce_max3A_385 = vector.multi_reduction <maximumf>, %select_n3A, %reduce_max3A [1] : vector<256x256xf32> to vector<256xf32>
      %broadcast_in_dim3A_386 = vector.shape_cast %reduce_max3A_385 : vector<256xf32> to vector<256x1xf32>
      %max3A = arith.maximumf %while3A_366, %broadcast_in_dim3A_386 : vector<256x1xf32>
      %sub3A = arith.subf %while3A_366, %max3A : vector<256x1xf32>
      %exp3A = math.exp %sub3A : vector<256x1xf32>
      %sub3A_387 = vector.broadcast %max3A : vector<256x1xf32> to vector<256x256xf32>
      %sub3A_388 = arith.subf %select_n3A, %sub3A_387 : vector<256x256xf32>
      %exp3A_389 = math.exp %sub3A_388 : vector<256x256xf32>
      %mul3A_390 = arith.mulf %while3A_367, %exp3A : vector<256x1xf32>
      %reduce_sum3A = arith.constant dense<0.000000e+00> : vector<256xf32>
      %reduce_sum3A_391 = vector.multi_reduction <add>, %exp3A_389, %reduce_sum3A [1] : vector<256x256xf32> to vector<256xf32>
      %broadcast_in_dim3A_392 = vector.shape_cast %reduce_sum3A_391 : vector<256xf32> to vector<256x1xf32>
      %add3A_393 = arith.addf %mul3A_390, %broadcast_in_dim3A_392 : vector<256x1xf32>
      %mul3A_394 = vector.broadcast %exp3A : vector<256x1xf32> to vector<256x64xf32>
      %mul3A_395 = arith.mulf %while3A_368, %mul3A_394 : vector<256x64xf32>
      %convert_element_type3A_396 = arith.truncf %exp3A_389 : vector<256x256xf32> to vector<256x256xbf16>
      %dot_general3A_397 = arith.constant dense<0.000000e+00> : vector<256x64xf32>
      %dot_general3A_398 = tpu.matmul %convert_element_type3A_396, %get3A_378, %dot_general3A_397 {dimension_numbers = #tpu.dot_dimension_numbers<[1], [0], [0], [1], [0, 0, 1, 1], [], []>, transpose_lhs_hint = false} : vector<256x256xbf16>, vector<256x64xbf16>, vector<256x64xf32> -> vector<256x64xf32>
      %add3A_399 = arith.addf %mul3A_395, %dot_general3A_398 : vector<256x64xf32>
      scf.yield %max3A, %add3A_393, %add3A_399 : vector<256x1xf32>, vector<256x1xf32>, vector<256x64xf32>
    }
    %div3A_294 = arith.constant 1.000000e+00 : f32
    %div3A_295 = vector.broadcast %div3A_294 : f32 to vector<256x1xf32>
    %div3A_296 = arith.divf %div3A_295, %while3A_293#1 : vector<256x1xf32>
    %mul3A_297 = vector.broadcast %div3A_296 : vector<256x1xf32> to vector<256x64xf32>
    %mul3A_298 = arith.mulf %while3A_293#2, %mul3A_297 : vector<256x64xf32>
    %convert_element_type3A_299 = arith.truncf %mul3A_298 : vector<256x64xf32> to vector<256x64xbf16>
    %swap3A_300 = arith.constant 0 : index
    %swap3A_301 = arith.constant 576 : index
    %swap3A_302 = vector.load %arg4[%swap3A_300, %swap3A_301] : memref<256x768xbf16, #tpu.memory_space<vmem>>, vector<256x64xbf16>
    tpu.vector_store %arg4[%swap3A_300, %swap3A_301], %convert_element_type3A_299 {strides = array<i32>} : memref<256x768xbf16, #tpu.memory_space<vmem>>, vector<256x64xbf16>,
    %get3A_303 = arith.constant 0 : index
    %get3A_304 = arith.constant 640 : index
    %get3A_305 = vector.load %arg1[%get3A_303, %get3A_304] : memref<256x768xbf16, #tpu.memory_space<vmem>>, vector<256x64xbf16>
    %broadcast_in_dim3A_306 = arith.constant -1.000000e+30 : f32
    %broadcast_in_dim3A_307 = vector.broadcast %broadcast_in_dim3A_306 : f32 to vector<256x1xf32>
    %broadcast_in_dim3A_308 = arith.constant 0.000000e+00 : f32
    %broadcast_in_dim3A_309 = vector.broadcast %broadcast_in_dim3A_308 : f32 to vector<256x1xf32>
    %broadcast_in_dim3A_310 = arith.constant 0.000000e+00 : f32
    %broadcast_in_dim3A_311 = vector.broadcast %broadcast_in_dim3A_310 : f32 to vector<256x64xf32>
    %add3A_312 = arith.constant 1 : i32
    %add3A_313 = arith.addi %arg0, %add3A_312 : i32
    %while3A_314 = arith.constant 0 : i32
    %while3A_315 = arith.subi %add3A_313, %while3A_314 : i32
    %while3A_316 = arith.addi %while3A_314, %while3A_315 : i32
    %while3A_317 = arith.constant 1 : i32
    %while3A_318 = arith.divsi %while3A_315, %while3A_317 : i32
    %while3A_319 = arith.muli %while3A_318, %while3A_317 : i32
    %while3A_320 = arith.addi %while3A_314, %while3A_319 : i32
    %while3A_321 = arith.constant 1 : i32
    %while3A_322:3 = scf.for %while3A_365 = %while3A_314 to %while3A_320 step %while3A_321 iter_args(%while3A_366 = %broadcast_in_dim3A_307, %while3A_367 = %broadcast_in_dim3A_309, %while3A_368 = %broadcast_in_dim3A_311) -> (vector<256x1xf32>, vector<256x1xf32>, vector<256x64xf32>)  : i32 {
      %mul3A_369 = arith.constant 256 : i32
      %mul3A_370 = arith.muli %while3A_365, %mul3A_369 : i32
      %get3A_371 = arith.index_cast %mul3A_370 : i32 to index
      %get3A_372 = arith.constant 640 : index
      %get3A_373 = vector.load %arg2[%get3A_371, %get3A_372] : memref<2048x768xbf16, #tpu.memory_space<vmem>>, vector<256x64xbf16>
      %mul3A_374 = arith.constant 256 : i32
      %mul3A_375 = arith.muli %while3A_365, %mul3A_374 : i32
      %get3A_376 = arith.index_cast %mul3A_375 : i32 to index
      %get3A_377 = arith.constant 640 : index
      %get3A_378 = vector.load %arg3[%get3A_376, %get3A_377] : memref<2048x768xbf16, #tpu.memory_space<vmem>>, vector<256x64xbf16>
      %dot_general3A = arith.constant dense<0.000000e+00> : vector<256x256xf32>
      %dot_general3A_379 = tpu.matmul %get3A_305, %get3A_373, %dot_general3A {dimension_numbers = #tpu.dot_dimension_numbers<[1], [1], [0], [0], [0, 0, 1, 0], [], []>, transpose_lhs_hint = false} : vector<256x64xbf16>, vector<256x64xbf16>, vector<256x256xf32> -> vector<256x256xf32>
      %mul3A_380 = arith.constant 1.250000e-01 : f32
      %mul3A_381 = vector.broadcast %mul3A_380 : f32 to vector<256x256xf32>
      %mul3A_382 = arith.mulf %dot_general3A_379, %mul3A_381 : vector<256x256xf32>
      %lt3A = arith.cmpi slt, %while3A_365, %arg0 : i32
      %or3A = vector.broadcast %lt3A : i1 to vector<256x256xi1>
      %or3A_383 = arith.ori %or3A, %ge3A : vector<256x256xi1>
      %jit3A = arith.constant -1.000000e+09 : f32
      %broadcast_in_dim3A_384 = vector.broadcast %jit3A : f32 to vector<256x256xf32>
      %select_n3A = arith.select %or3A_383, %mul3A_382, %broadcast_in_dim3A_384 : vector<256x256xi1>, vector<256x256xf32>
      %reduce_max3A = arith.constant dense<0xFF800000> : vector<256xf32>
      %reduce_max3A_385 = vector.multi_reduction <maximumf>, %select_n3A, %reduce_max3A [1] : vector<256x256xf32> to vector<256xf32>
      %broadcast_in_dim3A_386 = vector.shape_cast %reduce_max3A_385 : vector<256xf32> to vector<256x1xf32>
      %max3A = arith.maximumf %while3A_366, %broadcast_in_dim3A_386 : vector<256x1xf32>
      %sub3A = arith.subf %while3A_366, %max3A : vector<256x1xf32>
      %exp3A = math.exp %sub3A : vector<256x1xf32>
      %sub3A_387 = vector.broadcast %max3A : vector<256x1xf32> to vector<256x256xf32>
      %sub3A_388 = arith.subf %select_n3A, %sub3A_387 : vector<256x256xf32>
      %exp3A_389 = math.exp %sub3A_388 : vector<256x256xf32>
      %mul3A_390 = arith.mulf %while3A_367, %exp3A : vector<256x1xf32>
      %reduce_sum3A = arith.constant dense<0.000000e+00> : vector<256xf32>
      %reduce_sum3A_391 = vector.multi_reduction <add>, %exp3A_389, %reduce_sum3A [1] : vector<256x256xf32> to vector<256xf32>
      %broadcast_in_dim3A_392 = vector.shape_cast %reduce_sum3A_391 : vector<256xf32> to vector<256x1xf32>
      %add3A_393 = arith.addf %mul3A_390, %broadcast_in_dim3A_392 : vector<256x1xf32>
      %mul3A_394 = vector.broadcast %exp3A : vector<256x1xf32> to vector<256x64xf32>
      %mul3A_395 = arith.mulf %while3A_368, %mul3A_394 : vector<256x64xf32>
      %convert_element_type3A_396 = arith.truncf %exp3A_389 : vector<256x256xf32> to vector<256x256xbf16>
      %dot_general3A_397 = arith.constant dense<0.000000e+00> : vector<256x64xf32>
      %dot_general3A_398 = tpu.matmul %convert_element_type3A_396, %get3A_378, %dot_general3A_397 {dimension_numbers = #tpu.dot_dimension_numbers<[1], [0], [0], [1], [0, 0, 1, 1], [], []>, transpose_lhs_hint = false} : vector<256x256xbf16>, vector<256x64xbf16>, vector<256x64xf32> -> vector<256x64xf32>
      %add3A_399 = arith.addf %mul3A_395, %dot_general3A_398 : vector<256x64xf32>
      scf.yield %max3A, %add3A_393, %add3A_399 : vector<256x1xf32>, vector<256x1xf32>, vector<256x64xf32>
    }
    %while3A_323 = arith.constant 1 : i32
    %while3A_324:3 = scf.for %while3A_365 = %while3A_320 to %while3A_316 step %while3A_323 iter_args(%while3A_366 = %while3A_322#0, %while3A_367 = %while3A_322#1, %while3A_368 = %while3A_322#2) -> (vector<256x1xf32>, vector<256x1xf32>, vector<256x64xf32>)  : i32 {
      %mul3A_369 = arith.constant 256 : i32
      %mul3A_370 = arith.muli %while3A_365, %mul3A_369 : i32
      %get3A_371 = arith.index_cast %mul3A_370 : i32 to index
      %get3A_372 = arith.constant 640 : index
      %get3A_373 = vector.load %arg2[%get3A_371, %get3A_372] : memref<2048x768xbf16, #tpu.memory_space<vmem>>, vector<256x64xbf16>
      %mul3A_374 = arith.constant 256 : i32
      %mul3A_375 = arith.muli %while3A_365, %mul3A_374 : i32
      %get3A_376 = arith.index_cast %mul3A_375 : i32 to index
      %get3A_377 = arith.constant 640 : index
      %get3A_378 = vector.load %arg3[%get3A_376, %get3A_377] : memref<2048x768xbf16, #tpu.memory_space<vmem>>, vector<256x64xbf16>
      %dot_general3A = arith.constant dense<0.000000e+00> : vector<256x256xf32>
      %dot_general3A_379 = tpu.matmul %get3A_305, %get3A_373, %dot_general3A {dimension_numbers = #tpu.dot_dimension_numbers<[1], [1], [0], [0], [0, 0, 1, 0], [], []>, transpose_lhs_hint = false} : vector<256x64xbf16>, vector<256x64xbf16>, vector<256x256xf32> -> vector<256x256xf32>
      %mul3A_380 = arith.constant 1.250000e-01 : f32
      %mul3A_381 = vector.broadcast %mul3A_380 : f32 to vector<256x256xf32>
      %mul3A_382 = arith.mulf %dot_general3A_379, %mul3A_381 : vector<256x256xf32>
      %lt3A = arith.cmpi slt, %while3A_365, %arg0 : i32
      %or3A = vector.broadcast %lt3A : i1 to vector<256x256xi1>
      %or3A_383 = arith.ori %or3A, %ge3A : vector<256x256xi1>
      %jit3A = arith.constant -1.000000e+09 : f32
      %broadcast_in_dim3A_384 = vector.broadcast %jit3A : f32 to vector<256x256xf32>
      %select_n3A = arith.select %or3A_383, %mul3A_382, %broadcast_in_dim3A_384 : vector<256x256xi1>, vector<256x256xf32>
      %reduce_max3A = arith.constant dense<0xFF800000> : vector<256xf32>
      %reduce_max3A_385 = vector.multi_reduction <maximumf>, %select_n3A, %reduce_max3A [1] : vector<256x256xf32> to vector<256xf32>
      %broadcast_in_dim3A_386 = vector.shape_cast %reduce_max3A_385 : vector<256xf32> to vector<256x1xf32>
      %max3A = arith.maximumf %while3A_366, %broadcast_in_dim3A_386 : vector<256x1xf32>
      %sub3A = arith.subf %while3A_366, %max3A : vector<256x1xf32>
      %exp3A = math.exp %sub3A : vector<256x1xf32>
      %sub3A_387 = vector.broadcast %max3A : vector<256x1xf32> to vector<256x256xf32>
      %sub3A_388 = arith.subf %select_n3A, %sub3A_387 : vector<256x256xf32>
      %exp3A_389 = math.exp %sub3A_388 : vector<256x256xf32>
      %mul3A_390 = arith.mulf %while3A_367, %exp3A : vector<256x1xf32>
      %reduce_sum3A = arith.constant dense<0.000000e+00> : vector<256xf32>
      %reduce_sum3A_391 = vector.multi_reduction <add>, %exp3A_389, %reduce_sum3A [1] : vector<256x256xf32> to vector<256xf32>
      %broadcast_in_dim3A_392 = vector.shape_cast %reduce_sum3A_391 : vector<256xf32> to vector<256x1xf32>
      %add3A_393 = arith.addf %mul3A_390, %broadcast_in_dim3A_392 : vector<256x1xf32>
      %mul3A_394 = vector.broadcast %exp3A : vector<256x1xf32> to vector<256x64xf32>
      %mul3A_395 = arith.mulf %while3A_368, %mul3A_394 : vector<256x64xf32>
      %convert_element_type3A_396 = arith.truncf %exp3A_389 : vector<256x256xf32> to vector<256x256xbf16>
      %dot_general3A_397 = arith.constant dense<0.000000e+00> : vector<256x64xf32>
      %dot_general3A_398 = tpu.matmul %convert_element_type3A_396, %get3A_378, %dot_general3A_397 {dimension_numbers = #tpu.dot_dimension_numbers<[1], [0], [0], [1], [0, 0, 1, 1], [], []>, transpose_lhs_hint = false} : vector<256x256xbf16>, vector<256x64xbf16>, vector<256x64xf32> -> vector<256x64xf32>
      %add3A_399 = arith.addf %mul3A_395, %dot_general3A_398 : vector<256x64xf32>
      scf.yield %max3A, %add3A_393, %add3A_399 : vector<256x1xf32>, vector<256x1xf32>, vector<256x64xf32>
    }
    %div3A_325 = arith.constant 1.000000e+00 : f32
    %div3A_326 = vector.broadcast %div3A_325 : f32 to vector<256x1xf32>
    %div3A_327 = arith.divf %div3A_326, %while3A_324#1 : vector<256x1xf32>
    %mul3A_328 = vector.broadcast %div3A_327 : vector<256x1xf32> to vector<256x64xf32>
    %mul3A_329 = arith.mulf %while3A_324#2, %mul3A_328 : vector<256x64xf32>
    %convert_element_type3A_330 = arith.truncf %mul3A_329 : vector<256x64xf32> to vector<256x64xbf16>
    %swap3A_331 = arith.constant 0 : index
    %swap3A_332 = arith.constant 640 : index
    %swap3A_333 = vector.load %arg4[%swap3A_331, %swap3A_332] : memref<256x768xbf16, #tpu.memory_space<vmem>>, vector<256x64xbf16>
    tpu.vector_store %arg4[%swap3A_331, %swap3A_332], %convert_element_type3A_330 {strides = array<i32>} : memref<256x768xbf16, #tpu.memory_space<vmem>>, vector<256x64xbf16>,
    %get3A_334 = arith.constant 0 : index
    %get3A_335 = arith.constant 704 : index
    %get3A_336 = vector.load %arg1[%get3A_334, %get3A_335] : memref<256x768xbf16, #tpu.memory_space<vmem>>, vector<256x64xbf16>
    %broadcast_in_dim3A_337 = arith.constant -1.000000e+30 : f32
    %broadcast_in_dim3A_338 = vector.broadcast %broadcast_in_dim3A_337 : f32 to vector<256x1xf32>
    %broadcast_in_dim3A_339 = arith.constant 0.000000e+00 : f32
    %broadcast_in_dim3A_340 = vector.broadcast %broadcast_in_dim3A_339 : f32 to vector<256x1xf32>
    %broadcast_in_dim3A_341 = arith.constant 0.000000e+00 : f32
    %broadcast_in_dim3A_342 = vector.broadcast %broadcast_in_dim3A_341 : f32 to vector<256x64xf32>
    %add3A_343 = arith.constant 1 : i32
    %add3A_344 = arith.addi %arg0, %add3A_343 : i32
    %while3A_345 = arith.constant 0 : i32
    %while3A_346 = arith.subi %add3A_344, %while3A_345 : i32
    %while3A_347 = arith.addi %while3A_345, %while3A_346 : i32
    %while3A_348 = arith.constant 1 : i32
    %while3A_349 = arith.divsi %while3A_346, %while3A_348 : i32
    %while3A_350 = arith.muli %while3A_349, %while3A_348 : i32
    %while3A_351 = arith.addi %while3A_345, %while3A_350 : i32
    %while3A_352 = arith.constant 1 : i32
    %while3A_353:3 = scf.for %while3A_365 = %while3A_345 to %while3A_351 step %while3A_352 iter_args(%while3A_366 = %broadcast_in_dim3A_338, %while3A_367 = %broadcast_in_dim3A_340, %while3A_368 = %broadcast_in_dim3A_342) -> (vector<256x1xf32>, vector<256x1xf32>, vector<256x64xf32>)  : i32 {
      %mul3A_369 = arith.constant 256 : i32
      %mul3A_370 = arith.muli %while3A_365, %mul3A_369 : i32
      %get3A_371 = arith.index_cast %mul3A_370 : i32 to index
      %get3A_372 = arith.constant 704 : index
      %get3A_373 = vector.load %arg2[%get3A_371, %get3A_372] : memref<2048x768xbf16, #tpu.memory_space<vmem>>, vector<256x64xbf16>
      %mul3A_374 = arith.constant 256 : i32
      %mul3A_375 = arith.muli %while3A_365, %mul3A_374 : i32
      %get3A_376 = arith.index_cast %mul3A_375 : i32 to index
      %get3A_377 = arith.constant 704 : index
      %get3A_378 = vector.load %arg3[%get3A_376, %get3A_377] : memref<2048x768xbf16, #tpu.memory_space<vmem>>, vector<256x64xbf16>
      %dot_general3A = arith.constant dense<0.000000e+00> : vector<256x256xf32>
      %dot_general3A_379 = tpu.matmul %get3A_336, %get3A_373, %dot_general3A {dimension_numbers = #tpu.dot_dimension_numbers<[1], [1], [0], [0], [0, 0, 1, 0], [], []>, transpose_lhs_hint = false} : vector<256x64xbf16>, vector<256x64xbf16>, vector<256x256xf32> -> vector<256x256xf32>
      %mul3A_380 = arith.constant 1.250000e-01 : f32
      %mul3A_381 = vector.broadcast %mul3A_380 : f32 to vector<256x256xf32>
      %mul3A_382 = arith.mulf %dot_general3A_379, %mul3A_381 : vector<256x256xf32>
      %lt3A = arith.cmpi slt, %while3A_365, %arg0 : i32
      %or3A = vector.broadcast %lt3A : i1 to vector<256x256xi1>
      %or3A_383 = arith.ori %or3A, %ge3A : vector<256x256xi1>
      %jit3A = arith.constant -1.000000e+09 : f32
      %broadcast_in_dim3A_384 = vector.broadcast %jit3A : f32 to vector<256x256xf32>
      %select_n3A = arith.select %or3A_383, %mul3A_382, %broadcast_in_dim3A_384 : vector<256x256xi1>, vector<256x256xf32>
      %reduce_max3A = arith.constant dense<0xFF800000> : vector<256xf32>
      %reduce_max3A_385 = vector.multi_reduction <maximumf>, %select_n3A, %reduce_max3A [1] : vector<256x256xf32> to vector<256xf32>
      %broadcast_in_dim3A_386 = vector.shape_cast %reduce_max3A_385 : vector<256xf32> to vector<256x1xf32>
      %max3A = arith.maximumf %while3A_366, %broadcast_in_dim3A_386 : vector<256x1xf32>
      %sub3A = arith.subf %while3A_366, %max3A : vector<256x1xf32>
      %exp3A = math.exp %sub3A : vector<256x1xf32>
      %sub3A_387 = vector.broadcast %max3A : vector<256x1xf32> to vector<256x256xf32>
      %sub3A_388 = arith.subf %select_n3A, %sub3A_387 : vector<256x256xf32>
      %exp3A_389 = math.exp %sub3A_388 : vector<256x256xf32>
      %mul3A_390 = arith.mulf %while3A_367, %exp3A : vector<256x1xf32>
      %reduce_sum3A = arith.constant dense<0.000000e+00> : vector<256xf32>
      %reduce_sum3A_391 = vector.multi_reduction <add>, %exp3A_389, %reduce_sum3A [1] : vector<256x256xf32> to vector<256xf32>
      %broadcast_in_dim3A_392 = vector.shape_cast %reduce_sum3A_391 : vector<256xf32> to vector<256x1xf32>
      %add3A_393 = arith.addf %mul3A_390, %broadcast_in_dim3A_392 : vector<256x1xf32>
      %mul3A_394 = vector.broadcast %exp3A : vector<256x1xf32> to vector<256x64xf32>
      %mul3A_395 = arith.mulf %while3A_368, %mul3A_394 : vector<256x64xf32>
      %convert_element_type3A_396 = arith.truncf %exp3A_389 : vector<256x256xf32> to vector<256x256xbf16>
      %dot_general3A_397 = arith.constant dense<0.000000e+00> : vector<256x64xf32>
      %dot_general3A_398 = tpu.matmul %convert_element_type3A_396, %get3A_378, %dot_general3A_397 {dimension_numbers = #tpu.dot_dimension_numbers<[1], [0], [0], [1], [0, 0, 1, 1], [], []>, transpose_lhs_hint = false} : vector<256x256xbf16>, vector<256x64xbf16>, vector<256x64xf32> -> vector<256x64xf32>
      %add3A_399 = arith.addf %mul3A_395, %dot_general3A_398 : vector<256x64xf32>
      scf.yield %max3A, %add3A_393, %add3A_399 : vector<256x1xf32>, vector<256x1xf32>, vector<256x64xf32>
    }
    %while3A_354 = arith.constant 1 : i32
    %while3A_355:3 = scf.for %while3A_365 = %while3A_351 to %while3A_347 step %while3A_354 iter_args(%while3A_366 = %while3A_353#0, %while3A_367 = %while3A_353#1, %while3A_368 = %while3A_353#2) -> (vector<256x1xf32>, vector<256x1xf32>, vector<256x64xf32>)  : i32 {
      %mul3A_369 = arith.constant 256 : i32
      %mul3A_370 = arith.muli %while3A_365, %mul3A_369 : i32
      %get3A_371 = arith.index_cast %mul3A_370 : i32 to index
      %get3A_372 = arith.constant 704 : index
      %get3A_373 = vector.load %arg2[%get3A_371, %get3A_372] : memref<2048x768xbf16, #tpu.memory_space<vmem>>, vector<256x64xbf16>
      %mul3A_374 = arith.constant 256 : i32
      %mul3A_375 = arith.muli %while3A_365, %mul3A_374 : i32
      %get3A_376 = arith.index_cast %mul3A_375 : i32 to index
      %get3A_377 = arith.constant 704 : index
      %get3A_378 = vector.load %arg3[%get3A_376, %get3A_377] : memref<2048x768xbf16, #tpu.memory_space<vmem>>, vector<256x64xbf16>
      %dot_general3A = arith.constant dense<0.000000e+00> : vector<256x256xf32>
      %dot_general3A_379 = tpu.matmul %get3A_336, %get3A_373, %dot_general3A {dimension_numbers = #tpu.dot_dimension_numbers<[1], [1], [0], [0], [0, 0, 1, 0], [], []>, transpose_lhs_hint = false} : vector<256x64xbf16>, vector<256x64xbf16>, vector<256x256xf32> -> vector<256x256xf32>
      %mul3A_380 = arith.constant 1.250000e-01 : f32
      %mul3A_381 = vector.broadcast %mul3A_380 : f32 to vector<256x256xf32>
      %mul3A_382 = arith.mulf %dot_general3A_379, %mul3A_381 : vector<256x256xf32>
      %lt3A = arith.cmpi slt, %while3A_365, %arg0 : i32
      %or3A = vector.broadcast %lt3A : i1 to vector<256x256xi1>
      %or3A_383 = arith.ori %or3A, %ge3A : vector<256x256xi1>
      %jit3A = arith.constant -1.000000e+09 : f32
      %broadcast_in_dim3A_384 = vector.broadcast %jit3A : f32 to vector<256x256xf32>
      %select_n3A = arith.select %or3A_383, %mul3A_382, %broadcast_in_dim3A_384 : vector<256x256xi1>, vector<256x256xf32>
      %reduce_max3A = arith.constant dense<0xFF800000> : vector<256xf32>
      %reduce_max3A_385 = vector.multi_reduction <maximumf>, %select_n3A, %reduce_max3A [1] : vector<256x256xf32> to vector<256xf32>
      %broadcast_in_dim3A_386 = vector.shape_cast %reduce_max3A_385 : vector<256xf32> to vector<256x1xf32>
      %max3A = arith.maximumf %while3A_366, %broadcast_in_dim3A_386 : vector<256x1xf32>
      %sub3A = arith.subf %while3A_366, %max3A : vector<256x1xf32>
      %exp3A = math.exp %sub3A : vector<256x1xf32>
      %sub3A_387 = vector.broadcast %max3A : vector<256x1xf32> to vector<256x256xf32>
      %sub3A_388 = arith.subf %select_n3A, %sub3A_387 : vector<256x256xf32>
      %exp3A_389 = math.exp %sub3A_388 : vector<256x256xf32>
      %mul3A_390 = arith.mulf %while3A_367, %exp3A : vector<256x1xf32>
      %reduce_sum3A = arith.constant dense<0.000000e+00> : vector<256xf32>
      %reduce_sum3A_391 = vector.multi_reduction <add>, %exp3A_389, %reduce_sum3A [1] : vector<256x256xf32> to vector<256xf32>
      %broadcast_in_dim3A_392 = vector.shape_cast %reduce_sum3A_391 : vector<256xf32> to vector<256x1xf32>
      %add3A_393 = arith.addf %mul3A_390, %broadcast_in_dim3A_392 : vector<256x1xf32>
      %mul3A_394 = vector.broadcast %exp3A : vector<256x1xf32> to vector<256x64xf32>
      %mul3A_395 = arith.mulf %while3A_368, %mul3A_394 : vector<256x64xf32>
      %convert_element_type3A_396 = arith.truncf %exp3A_389 : vector<256x256xf32> to vector<256x256xbf16>
      %dot_general3A_397 = arith.constant dense<0.000000e+00> : vector<256x64xf32>
      %dot_general3A_398 = tpu.matmul %convert_element_type3A_396, %get3A_378, %dot_general3A_397 {dimension_numbers = #tpu.dot_dimension_numbers<[1], [0], [0], [1], [0, 0, 1, 1], [], []>, transpose_lhs_hint = false} : vector<256x256xbf16>, vector<256x64xbf16>, vector<256x64xf32> -> vector<256x64xf32>
      %add3A_399 = arith.addf %mul3A_395, %dot_general3A_398 : vector<256x64xf32>
      scf.yield %max3A, %add3A_393, %add3A_399 : vector<256x1xf32>, vector<256x1xf32>, vector<256x64xf32>
    }
    %div3A_356 = arith.constant 1.000000e+00 : f32
    %div3A_357 = vector.broadcast %div3A_356 : f32 to vector<256x1xf32>
    %div3A_358 = arith.divf %div3A_357, %while3A_355#1 : vector<256x1xf32>
    %mul3A_359 = vector.broadcast %div3A_358 : vector<256x1xf32> to vector<256x64xf32>
    %mul3A_360 = arith.mulf %while3A_355#2, %mul3A_359 : vector<256x64xf32>
    %convert_element_type3A_361 = arith.truncf %mul3A_360 : vector<256x64xf32> to vector<256x64xbf16>
    %swap3A_362 = arith.constant 0 : index
    %swap3A_363 = arith.constant 704 : index
    %swap3A_364 = vector.load %arg4[%swap3A_362, %swap3A_363] : memref<256x768xbf16, #tpu.memory_space<vmem>>, vector<256x64xbf16>
    tpu.vector_store %arg4[%swap3A_362, %swap3A_363], %convert_element_type3A_361 {strides = array<i32>} : memref<256x768xbf16, #tpu.memory_space<vmem>>, vector<256x64xbf16>,
    return
  }
  func.func @transform_0(%arg0: i32) -> (i32, i32) {
    %c0_i32 = arith.constant 0 : i32
    %c0_i32_0 = arith.constant 0 : i32
    return %arg0, %c0_i32 : i32, i32
  }
  func.func @transform_1(%arg0: i32) -> (i32, i32) {
    %c0_i32 = arith.constant 0 : i32
    %c1_i32 = arith.constant 1 : i32
    %c0_i32_0 = arith.constant 0 : i32
    return %c0_i32, %c1_i32 : i32, i32
  }
  func.func @transform_2(%arg0: i32) -> (i32, i32) {
    %c0_i32 = arith.constant 0 : i32
    %c2_i32 = arith.constant 2 : i32
    %c0_i32_0 = arith.constant 0 : i32
    return %c0_i32, %c2_i32 : i32, i32
  }
  func.func @transform_3(%arg0: i32) -> (i32, i32) {
    %c0_i32 = arith.constant 0 : i32
    %c0_i32_0 = arith.constant 0 : i32
    return %arg0, %c0_i32 : i32, i32
  }
}

module attributes {stable_mosaic.version = 14 : i64} {
  func.func @_post_body(%arg0: i32, %arg1: memref<256x768xbf16, #tpu.memory_space<vmem>>, %arg2: memref<256x768xf32, #tpu.memory_space<vmem>>, %arg3: memref<768x768xbf16, #tpu.memory_space<vmem>>, %arg4: memref<1x768xf32, #tpu.memory_space<vmem>>, %arg5: memref<1x768xf32, #tpu.memory_space<vmem>>, %arg6: memref<1x768xf32, #tpu.memory_space<vmem>>, %arg7: memref<768x3072xbf16, #tpu.memory_space<vmem>>, %arg8: memref<1x3072xf32, #tpu.memory_space<vmem>>, %arg9: memref<3072x768xbf16, #tpu.memory_space<vmem>>, %arg10: memref<1x768xf32, #tpu.memory_space<vmem>>, %arg11: memref<256x768xf32, #tpu.memory_space<vmem>>, %arg12: memref<256x768xbf16, #tpu.memory_space<vmem>>) attributes {dimension_semantics = [#tpu.dimension_semantics<arbitrary>], iteration_bounds = array<i64: 8>, scalar_prefetch = 0 : i64, scratch_operands = 0 : i64, tpu.core_type = #tpu.core_type<tc>, window_params = [{transform_indices = @transform_0, window_bounds = array<i64: 256, 768>}, {transform_indices = @transform_1, window_bounds = array<i64: 256, 768>}, {pipeline_mode = #tpu.pipeline_mode<synchronous>, transform_indices = @transform_2, window_bounds = array<i64: 768, 768>}, {pipeline_mode = #tpu.pipeline_mode<synchronous>, transform_indices = @transform_3, window_bounds = array<i64: 1, 768>}, {pipeline_mode = #tpu.pipeline_mode<synchronous>, transform_indices = @transform_4, window_bounds = array<i64: 1, 768>}, {pipeline_mode = #tpu.pipeline_mode<synchronous>, transform_indices = @transform_5, window_bounds = array<i64: 1, 768>}, {pipeline_mode = #tpu.pipeline_mode<synchronous>, transform_indices = @transform_6, window_bounds = array<i64: 768, 3072>}, {pipeline_mode = #tpu.pipeline_mode<synchronous>, transform_indices = @transform_7, window_bounds = array<i64: 1, 3072>}, {pipeline_mode = #tpu.pipeline_mode<synchronous>, transform_indices = @transform_8, window_bounds = array<i64: 3072, 768>}, {pipeline_mode = #tpu.pipeline_mode<synchronous>, transform_indices = @transform_9, window_bounds = array<i64: 1, 768>}, {transform_indices = @transform_10, window_bounds = array<i64: 256, 768>}, {transform_indices = @transform_11, window_bounds = array<i64: 256, 768>}]} {
    %get3A = arith.constant 0 : index
    %get3A_0 = arith.constant 0 : index
    %get3A_1 = vector.load %arg2[%get3A, %get3A_0] : memref<256x768xf32, #tpu.memory_space<vmem>>, vector<256x768xf32>
    %get3A_2 = arith.constant 0 : index
    %get3A_3 = arith.constant 0 : index
    %get3A_4 = vector.load %arg1[%get3A_2, %get3A_3] : memref<256x768xbf16, #tpu.memory_space<vmem>>, vector<256x768xbf16>
    %get3A_5 = arith.constant 0 : index
    %get3A_6 = arith.constant 0 : index
    %get3A_7 = vector.load %arg3[%get3A_5, %get3A_6] : memref<768x768xbf16, #tpu.memory_space<vmem>>, vector<768x768xbf16>
    %dot_general3A = arith.constant dense<0.000000e+00> : vector<256x768xf32>
    %dot_general3A_8 = tpu.matmul %get3A_4, %get3A_7, %dot_general3A {dimension_numbers = #tpu.dot_dimension_numbers<[1], [0], [0], [1], [0, 0, 1, 1], [], []>, transpose_lhs_hint = false} : vector<256x768xbf16>, vector<768x768xbf16>, vector<256x768xf32> -> vector<256x768xf32>
    %add3A = arith.addf %get3A_1, %dot_general3A_8 : vector<256x768xf32>
    %get3A_9 = arith.constant 0 : index
    %get3A_10 = arith.constant 0 : index
    %get3A_11 = vector.load %arg4[%get3A_9, %get3A_10] : memref<1x768xf32, #tpu.memory_space<vmem>>, vector<1x768xf32>
    %add3A_12 = vector.broadcast %get3A_11 : vector<1x768xf32> to vector<256x768xf32>
    %add3A_13 = arith.addf %add3A, %add3A_12 : vector<256x768xf32>
    %get3A_14 = arith.constant 0 : index
    %get3A_15 = arith.constant 0 : index
    %get3A_16 = vector.load %arg5[%get3A_14, %get3A_15] : memref<1x768xf32, #tpu.memory_space<vmem>>, vector<1x768xf32>
    %get3A_17 = arith.constant 0 : index
    %get3A_18 = arith.constant 0 : index
    %get3A_19 = vector.load %arg6[%get3A_17, %get3A_18] : memref<1x768xf32, #tpu.memory_space<vmem>>, vector<1x768xf32>
    %reduce_sum3A = arith.constant dense<0.000000e+00> : vector<256xf32>
    %reduce_sum3A_20 = vector.multi_reduction <add>, %add3A_13, %reduce_sum3A [1] : vector<256x768xf32> to vector<256xf32>
    %broadcast_in_dim3A = vector.shape_cast %reduce_sum3A_20 : vector<256xf32> to vector<256x1xf32>
    %div3A = arith.constant 7.680000e+02 : f32
    %div3A_21 = vector.broadcast %div3A : f32 to vector<256x1xf32>
    %div3A_22 = arith.divf %broadcast_in_dim3A, %div3A_21 : vector<256x1xf32>
    %sub3A = vector.broadcast %div3A_22 : vector<256x1xf32> to vector<256x768xf32>
    %sub3A_23 = arith.subf %add3A_13, %sub3A : vector<256x768xf32>
    %integer_pow3A = arith.mulf %sub3A_23, %sub3A_23 : vector<256x768xf32>
    %reduce_sum3A_24 = arith.constant dense<0.000000e+00> : vector<256xf32>
    %reduce_sum3A_25 = vector.multi_reduction <add>, %integer_pow3A, %reduce_sum3A_24 [1] : vector<256x768xf32> to vector<256xf32>
    %broadcast_in_dim3A_26 = vector.shape_cast %reduce_sum3A_25 : vector<256xf32> to vector<256x1xf32>
    %div3A_27 = arith.constant 7.680000e+02 : f32
    %div3A_28 = vector.broadcast %div3A_27 : f32 to vector<256x1xf32>
    %div3A_29 = arith.divf %broadcast_in_dim3A_26, %div3A_28 : vector<256x1xf32>
    %sub3A_30 = vector.broadcast %div3A_22 : vector<256x1xf32> to vector<256x768xf32>
    %sub3A_31 = arith.subf %add3A_13, %sub3A_30 : vector<256x768xf32>
    %add3A_32 = arith.constant 9.99999974E-6 : f32
    %add3A_33 = vector.broadcast %add3A_32 : f32 to vector<256x1xf32>
    %add3A_34 = arith.addf %div3A_29, %add3A_33 : vector<256x1xf32>
    %rsqrt3A = math.rsqrt %add3A_34 : vector<256x1xf32>
    %mul3A = vector.broadcast %rsqrt3A : vector<256x1xf32> to vector<256x768xf32>
    %mul3A_35 = arith.mulf %sub3A_31, %mul3A : vector<256x768xf32>
    %mul3A_36 = vector.broadcast %get3A_16 : vector<1x768xf32> to vector<256x768xf32>
    %mul3A_37 = arith.mulf %mul3A_35, %mul3A_36 : vector<256x768xf32>
    %add3A_38 = vector.broadcast %get3A_19 : vector<1x768xf32> to vector<256x768xf32>
    %add3A_39 = arith.addf %mul3A_37, %add3A_38 : vector<256x768xf32>
    %convert_element_type3A = arith.truncf %add3A_39 : vector<256x768xf32> to vector<256x768xbf16>
    %get3A_40 = arith.constant 0 : index
    %get3A_41 = arith.constant 0 : index
    %get3A_42 = vector.load %arg7[%get3A_40, %get3A_41] : memref<768x3072xbf16, #tpu.memory_space<vmem>>, vector<768x3072xbf16>
    %dot_general3A_43 = arith.constant dense<0.000000e+00> : vector<256x3072xf32>
    %dot_general3A_44 = tpu.matmul %convert_element_type3A, %get3A_42, %dot_general3A_43 {dimension_numbers = #tpu.dot_dimension_numbers<[1], [0], [0], [1], [0, 0, 1, 1], [], []>, transpose_lhs_hint = false} : vector<256x768xbf16>, vector<768x3072xbf16>, vector<256x3072xf32> -> vector<256x3072xf32>
    %get3A_45 = arith.constant 0 : index
    %get3A_46 = arith.constant 0 : index
    %get3A_47 = vector.load %arg8[%get3A_45, %get3A_46] : memref<1x3072xf32, #tpu.memory_space<vmem>>, vector<1x3072xf32>
    %add3A_48 = vector.broadcast %get3A_47 : vector<1x3072xf32> to vector<256x3072xf32>
    %add3A_49 = arith.addf %dot_general3A_44, %add3A_48 : vector<256x3072xf32>
    %integer_pow3A_50 = arith.mulf %add3A_49, %add3A_49 : vector<256x3072xf32>
    %integer_pow3A_51 = arith.mulf %add3A_49, %integer_pow3A_50 : vector<256x3072xf32>
    %mul3A_52 = arith.constant 4.471500e-02 : f32
    %mul3A_53 = vector.broadcast %mul3A_52 : f32 to vector<256x3072xf32>
    %mul3A_54 = arith.mulf %mul3A_53, %integer_pow3A_51 : vector<256x3072xf32>
    %add3A_55 = arith.addf %add3A_49, %mul3A_54 : vector<256x3072xf32>
    %mul3A_56 = arith.constant 0.797884583 : f32
    %mul3A_57 = vector.broadcast %mul3A_56 : f32 to vector<256x3072xf32>
    %mul3A_58 = arith.mulf %mul3A_57, %add3A_55 : vector<256x3072xf32>
    %tanh3A = math.tanh %mul3A_58 : vector<256x3072xf32>
    %add3A_59 = arith.constant 1.000000e+00 : f32
    %add3A_60 = vector.broadcast %add3A_59 : f32 to vector<256x3072xf32>
    %add3A_61 = arith.addf %add3A_60, %tanh3A : vector<256x3072xf32>
    %mul3A_62 = arith.constant 5.000000e-01 : f32
    %mul3A_63 = vector.broadcast %mul3A_62 : f32 to vector<256x3072xf32>
    %mul3A_64 = arith.mulf %mul3A_63, %add3A_61 : vector<256x3072xf32>
    %mul3A_65 = arith.mulf %add3A_49, %mul3A_64 : vector<256x3072xf32>
    %convert_element_type3A_66 = arith.truncf %mul3A_65 : vector<256x3072xf32> to vector<256x3072xbf16>
    %get3A_67 = arith.constant 0 : index
    %get3A_68 = arith.constant 0 : index
    %get3A_69 = vector.load %arg9[%get3A_67, %get3A_68] : memref<3072x768xbf16, #tpu.memory_space<vmem>>, vector<3072x768xbf16>
    %dot_general3A_70 = arith.constant dense<0.000000e+00> : vector<256x768xf32>
    %dot_general3A_71 = tpu.matmul %convert_element_type3A_66, %get3A_69, %dot_general3A_70 {dimension_numbers = #tpu.dot_dimension_numbers<[1], [0], [0], [1], [0, 0, 1, 1], [], []>, transpose_lhs_hint = false} : vector<256x3072xbf16>, vector<3072x768xbf16>, vector<256x768xf32> -> vector<256x768xf32>
    %add3A_72 = arith.addf %add3A_13, %dot_general3A_71 : vector<256x768xf32>
    %get3A_73 = arith.constant 0 : index
    %get3A_74 = arith.constant 0 : index
    %get3A_75 = vector.load %arg10[%get3A_73, %get3A_74] : memref<1x768xf32, #tpu.memory_space<vmem>>, vector<1x768xf32>
    %add3A_76 = vector.broadcast %get3A_75 : vector<1x768xf32> to vector<256x768xf32>
    %add3A_77 = arith.addf %add3A_72, %add3A_76 : vector<256x768xf32>
    %swap3A = arith.constant 0 : index
    %swap3A_78 = arith.constant 0 : index
    %swap3A_79 = vector.load %arg11[%swap3A, %swap3A_78] : memref<256x768xf32, #tpu.memory_space<vmem>>, vector<256x768xf32>
    tpu.vector_store %arg11[%swap3A, %swap3A_78], %add3A_77 {strides = array<i32>} : memref<256x768xf32, #tpu.memory_space<vmem>>, vector<256x768xf32>,
    %convert_element_type3A_80 = arith.truncf %add3A_77 : vector<256x768xf32> to vector<256x768xbf16>
    %swap3A_81 = arith.constant 0 : index
    %swap3A_82 = arith.constant 0 : index
    %swap3A_83 = vector.load %arg12[%swap3A_81, %swap3A_82] : memref<256x768xbf16, #tpu.memory_space<vmem>>, vector<256x768xbf16>
    tpu.vector_store %arg12[%swap3A_81, %swap3A_82], %convert_element_type3A_80 {strides = array<i32>} : memref<256x768xbf16, #tpu.memory_space<vmem>>, vector<256x768xbf16>,
    return
  }
  func.func @transform_0(%arg0: i32) -> (i32, i32) {
    %c0_i32 = arith.constant 0 : i32
    %c0_i32_0 = arith.constant 0 : i32
    return %arg0, %c0_i32 : i32, i32
  }
  func.func @transform_1(%arg0: i32) -> (i32, i32) {
    %c0_i32 = arith.constant 0 : i32
    %c0_i32_0 = arith.constant 0 : i32
    return %arg0, %c0_i32 : i32, i32
  }
  func.func @transform_2(%arg0: i32) -> (i32, i32) {
    %c0_i32 = arith.constant 0 : i32
    %c0_i32_0 = arith.constant 0 : i32
    %c0_i32_1 = arith.constant 0 : i32
    return %c0_i32, %c0_i32_0 : i32, i32
  }
  func.func @transform_3(%arg0: i32) -> (i32, i32) {
    %c0_i32 = arith.constant 0 : i32
    %c0_i32_0 = arith.constant 0 : i32
    %c0_i32_1 = arith.constant 0 : i32
    return %c0_i32, %c0_i32_0 : i32, i32
  }
  func.func @transform_4(%arg0: i32) -> (i32, i32) {
    %c0_i32 = arith.constant 0 : i32
    %c0_i32_0 = arith.constant 0 : i32
    %c0_i32_1 = arith.constant 0 : i32
    return %c0_i32, %c0_i32_0 : i32, i32
  }
  func.func @transform_5(%arg0: i32) -> (i32, i32) {
    %c0_i32 = arith.constant 0 : i32
    %c0_i32_0 = arith.constant 0 : i32
    %c0_i32_1 = arith.constant 0 : i32
    return %c0_i32, %c0_i32_0 : i32, i32
  }
  func.func @transform_6(%arg0: i32) -> (i32, i32) {
    %c0_i32 = arith.constant 0 : i32
    %c0_i32_0 = arith.constant 0 : i32
    %c0_i32_1 = arith.constant 0 : i32
    return %c0_i32, %c0_i32_0 : i32, i32
  }
  func.func @transform_7(%arg0: i32) -> (i32, i32) {
    %c0_i32 = arith.constant 0 : i32
    %c0_i32_0 = arith.constant 0 : i32
    %c0_i32_1 = arith.constant 0 : i32
    return %c0_i32, %c0_i32_0 : i32, i32
  }
  func.func @transform_8(%arg0: i32) -> (i32, i32) {
    %c0_i32 = arith.constant 0 : i32
    %c0_i32_0 = arith.constant 0 : i32
    %c0_i32_1 = arith.constant 0 : i32
    return %c0_i32, %c0_i32_0 : i32, i32
  }
  func.func @transform_9(%arg0: i32) -> (i32, i32) {
    %c0_i32 = arith.constant 0 : i32
    %c0_i32_0 = arith.constant 0 : i32
    %c0_i32_1 = arith.constant 0 : i32
    return %c0_i32, %c0_i32_0 : i32, i32
  }
  func.func @transform_10(%arg0: i32) -> (i32, i32) {
    %c0_i32 = arith.constant 0 : i32
    %c0_i32_0 = arith.constant 0 : i32
    return %arg0, %c0_i32 : i32, i32
  }
  func.func @transform_11(%arg0: i32) -> (i32, i32) {
    %c0_i32 = arith.constant 0 : i32
    %c0_i32_0 = arith.constant 0 : i32
    return %arg0, %c0_i32 : i32, i32
  }
}

module attributes {stable_mosaic.version = 14 : i64} {
  func.func @_post_body(%arg0: i32, %arg1: memref<256x768xbf16, #tpu.memory_space<vmem>>, %arg2: memref<256x768xf32, #tpu.memory_space<vmem>>, %arg3: memref<768x768xbf16, #tpu.memory_space<vmem>>, %arg4: memref<1x768xf32, #tpu.memory_space<vmem>>, %arg5: memref<1x768xf32, #tpu.memory_space<vmem>>, %arg6: memref<1x768xf32, #tpu.memory_space<vmem>>, %arg7: memref<768x3072xbf16, #tpu.memory_space<vmem>>, %arg8: memref<1x3072xf32, #tpu.memory_space<vmem>>, %arg9: memref<3072x768xbf16, #tpu.memory_space<vmem>>, %arg10: memref<1x768xf32, #tpu.memory_space<vmem>>, %arg11: memref<256x768xf32, #tpu.memory_space<vmem>>, %arg12: memref<256x768xbf16, #tpu.memory_space<vmem>>) attributes {dimension_semantics = [#tpu.dimension_semantics<arbitrary>], iteration_bounds = array<i64: 8>, scalar_prefetch = 0 : i64, scratch_operands = 0 : i64, tpu.core_type = #tpu.core_type<tc>, window_params = [{transform_indices = @transform_0, window_bounds = array<i64: 256, 768>}, {transform_indices = @transform_1, window_bounds = array<i64: 256, 768>}, {pipeline_mode = #tpu.pipeline_mode<synchronous>, transform_indices = @transform_2, window_bounds = array<i64: 768, 768>}, {pipeline_mode = #tpu.pipeline_mode<synchronous>, transform_indices = @transform_3, window_bounds = array<i64: 1, 768>}, {pipeline_mode = #tpu.pipeline_mode<synchronous>, transform_indices = @transform_4, window_bounds = array<i64: 1, 768>}, {pipeline_mode = #tpu.pipeline_mode<synchronous>, transform_indices = @transform_5, window_bounds = array<i64: 1, 768>}, {pipeline_mode = #tpu.pipeline_mode<synchronous>, transform_indices = @transform_6, window_bounds = array<i64: 768, 3072>}, {pipeline_mode = #tpu.pipeline_mode<synchronous>, transform_indices = @transform_7, window_bounds = array<i64: 1, 3072>}, {pipeline_mode = #tpu.pipeline_mode<synchronous>, transform_indices = @transform_8, window_bounds = array<i64: 3072, 768>}, {pipeline_mode = #tpu.pipeline_mode<synchronous>, transform_indices = @transform_9, window_bounds = array<i64: 1, 768>}, {transform_indices = @transform_10, window_bounds = array<i64: 256, 768>}, {transform_indices = @transform_11, window_bounds = array<i64: 256, 768>}]} {
    %get3A = arith.constant 0 : index
    %get3A_0 = arith.constant 0 : index
    %get3A_1 = vector.load %arg2[%get3A, %get3A_0] : memref<256x768xf32, #tpu.memory_space<vmem>>, vector<256x768xf32>
    %get3A_2 = arith.constant 0 : index
    %get3A_3 = arith.constant 0 : index
    %get3A_4 = vector.load %arg1[%get3A_2, %get3A_3] : memref<256x768xbf16, #tpu.memory_space<vmem>>, vector<256x768xbf16>
    %get3A_5 = arith.constant 0 : index
    %get3A_6 = arith.constant 0 : index
    %get3A_7 = vector.load %arg3[%get3A_5, %get3A_6] : memref<768x768xbf16, #tpu.memory_space<vmem>>, vector<768x768xbf16>
    %dot_general3A = arith.constant dense<0.000000e+00> : vector<256x768xf32>
    %dot_general3A_8 = tpu.matmul %get3A_4, %get3A_7, %dot_general3A {dimension_numbers = #tpu.dot_dimension_numbers<[1], [0], [0], [1], [0, 0, 1, 1], [], []>, transpose_lhs_hint = false} : vector<256x768xbf16>, vector<768x768xbf16>, vector<256x768xf32> -> vector<256x768xf32>
    %add3A = arith.addf %get3A_1, %dot_general3A_8 : vector<256x768xf32>
    %get3A_9 = arith.constant 0 : index
    %get3A_10 = arith.constant 0 : index
    %get3A_11 = vector.load %arg4[%get3A_9, %get3A_10] : memref<1x768xf32, #tpu.memory_space<vmem>>, vector<1x768xf32>
    %add3A_12 = vector.broadcast %get3A_11 : vector<1x768xf32> to vector<256x768xf32>
    %add3A_13 = arith.addf %add3A, %add3A_12 : vector<256x768xf32>
    %get3A_14 = arith.constant 0 : index
    %get3A_15 = arith.constant 0 : index
    %get3A_16 = vector.load %arg5[%get3A_14, %get3A_15] : memref<1x768xf32, #tpu.memory_space<vmem>>, vector<1x768xf32>
    %get3A_17 = arith.constant 0 : index
    %get3A_18 = arith.constant 0 : index
    %get3A_19 = vector.load %arg6[%get3A_17, %get3A_18] : memref<1x768xf32, #tpu.memory_space<vmem>>, vector<1x768xf32>
    %reduce_sum3A = arith.constant dense<0.000000e+00> : vector<256xf32>
    %reduce_sum3A_20 = vector.multi_reduction <add>, %add3A_13, %reduce_sum3A [1] : vector<256x768xf32> to vector<256xf32>
    %broadcast_in_dim3A = vector.shape_cast %reduce_sum3A_20 : vector<256xf32> to vector<256x1xf32>
    %div3A = arith.constant 7.680000e+02 : f32
    %div3A_21 = vector.broadcast %div3A : f32 to vector<256x1xf32>
    %div3A_22 = arith.divf %broadcast_in_dim3A, %div3A_21 : vector<256x1xf32>
    %sub3A = vector.broadcast %div3A_22 : vector<256x1xf32> to vector<256x768xf32>
    %sub3A_23 = arith.subf %add3A_13, %sub3A : vector<256x768xf32>
    %integer_pow3A = arith.mulf %sub3A_23, %sub3A_23 : vector<256x768xf32>
    %reduce_sum3A_24 = arith.constant dense<0.000000e+00> : vector<256xf32>
    %reduce_sum3A_25 = vector.multi_reduction <add>, %integer_pow3A, %reduce_sum3A_24 [1] : vector<256x768xf32> to vector<256xf32>
    %broadcast_in_dim3A_26 = vector.shape_cast %reduce_sum3A_25 : vector<256xf32> to vector<256x1xf32>
    %div3A_27 = arith.constant 7.680000e+02 : f32
    %div3A_28 = vector.broadcast %div3A_27 : f32 to vector<256x1xf32>
    %div3A_29 = arith.divf %broadcast_in_dim3A_26, %div3A_28 : vector<256x1xf32>
    %sub3A_30 = vector.broadcast %div3A_22 : vector<256x1xf32> to vector<256x768xf32>
    %sub3A_31 = arith.subf %add3A_13, %sub3A_30 : vector<256x768xf32>
    %add3A_32 = arith.constant 9.99999974E-6 : f32
    %add3A_33 = vector.broadcast %add3A_32 : f32 to vector<256x1xf32>
    %add3A_34 = arith.addf %div3A_29, %add3A_33 : vector<256x1xf32>
    %rsqrt3A = math.rsqrt %add3A_34 : vector<256x1xf32>
    %mul3A = vector.broadcast %rsqrt3A : vector<256x1xf32> to vector<256x768xf32>
    %mul3A_35 = arith.mulf %sub3A_31, %mul3A : vector<256x768xf32>
    %mul3A_36 = vector.broadcast %get3A_16 : vector<1x768xf32> to vector<256x768xf32>
    %mul3A_37 = arith.mulf %mul3A_35, %mul3A_36 : vector<256x768xf32>
    %add3A_38 = vector.broadcast %get3A_19 : vector<1x768xf32> to vector<256x768xf32>
    %add3A_39 = arith.addf %mul3A_37, %add3A_38 : vector<256x768xf32>
    %convert_element_type3A = arith.truncf %add3A_39 : vector<256x768xf32> to vector<256x768xbf16>
    %get3A_40 = arith.constant 0 : index
    %get3A_41 = arith.constant 0 : index
    %get3A_42 = vector.load %arg7[%get3A_40, %get3A_41] : memref<768x3072xbf16, #tpu.memory_space<vmem>>, vector<768x3072xbf16>
    %dot_general3A_43 = arith.constant dense<0.000000e+00> : vector<256x3072xf32>
    %dot_general3A_44 = tpu.matmul %convert_element_type3A, %get3A_42, %dot_general3A_43 {dimension_numbers = #tpu.dot_dimension_numbers<[1], [0], [0], [1], [0, 0, 1, 1], [], []>, transpose_lhs_hint = false} : vector<256x768xbf16>, vector<768x3072xbf16>, vector<256x3072xf32> -> vector<256x3072xf32>
    %get3A_45 = arith.constant 0 : index
    %get3A_46 = arith.constant 0 : index
    %get3A_47 = vector.load %arg8[%get3A_45, %get3A_46] : memref<1x3072xf32, #tpu.memory_space<vmem>>, vector<1x3072xf32>
    %add3A_48 = vector.broadcast %get3A_47 : vector<1x3072xf32> to vector<256x3072xf32>
    %add3A_49 = arith.addf %dot_general3A_44, %add3A_48 : vector<256x3072xf32>
    %integer_pow3A_50 = arith.mulf %add3A_49, %add3A_49 : vector<256x3072xf32>
    %integer_pow3A_51 = arith.mulf %add3A_49, %integer_pow3A_50 : vector<256x3072xf32>
    %mul3A_52 = arith.constant 4.471500e-02 : f32
    %mul3A_53 = vector.broadcast %mul3A_52 : f32 to vector<256x3072xf32>
    %mul3A_54 = arith.mulf %mul3A_53, %integer_pow3A_51 : vector<256x3072xf32>
    %add3A_55 = arith.addf %add3A_49, %mul3A_54 : vector<256x3072xf32>
    %mul3A_56 = arith.constant 0.797884583 : f32
    %mul3A_57 = vector.broadcast %mul3A_56 : f32 to vector<256x3072xf32>
    %mul3A_58 = arith.mulf %mul3A_57, %add3A_55 : vector<256x3072xf32>
    %tanh3A = math.tanh %mul3A_58 : vector<256x3072xf32>
    %add3A_59 = arith.constant 1.000000e+00 : f32
    %add3A_60 = vector.broadcast %add3A_59 : f32 to vector<256x3072xf32>
    %add3A_61 = arith.addf %add3A_60, %tanh3A : vector<256x3072xf32>
    %mul3A_62 = arith.constant 5.000000e-01 : f32
    %mul3A_63 = vector.broadcast %mul3A_62 : f32 to vector<256x3072xf32>
    %mul3A_64 = arith.mulf %mul3A_63, %add3A_61 : vector<256x3072xf32>
    %mul3A_65 = arith.mulf %add3A_49, %mul3A_64 : vector<256x3072xf32>
    %convert_element_type3A_66 = arith.truncf %mul3A_65 : vector<256x3072xf32> to vector<256x3072xbf16>
    %get3A_67 = arith.constant 0 : index
    %get3A_68 = arith.constant 0 : index
    %get3A_69 = vector.load %arg9[%get3A_67, %get3A_68] : memref<3072x768xbf16, #tpu.memory_space<vmem>>, vector<3072x768xbf16>
    %dot_general3A_70 = arith.constant dense<0.000000e+00> : vector<256x768xf32>
    %dot_general3A_71 = tpu.matmul %convert_element_type3A_66, %get3A_69, %dot_general3A_70 {dimension_numbers = #tpu.dot_dimension_numbers<[1], [0], [0], [1], [0, 0, 1, 1], [], []>, transpose_lhs_hint = false} : vector<256x3072xbf16>, vector<3072x768xbf16>, vector<256x768xf32> -> vector<256x768xf32>
    %add3A_72 = arith.addf %add3A_13, %dot_general3A_71 : vector<256x768xf32>
    %get3A_73 = arith.constant 0 : index
    %get3A_74 = arith.constant 0 : index
    %get3A_75 = vector.load %arg10[%get3A_73, %get3A_74] : memref<1x768xf32, #tpu.memory_space<vmem>>, vector<1x768xf32>
    %add3A_76 = vector.broadcast %get3A_75 : vector<1x768xf32> to vector<256x768xf32>
    %add3A_77 = arith.addf %add3A_72, %add3A_76 : vector<256x768xf32>
    %swap3A = arith.constant 0 : index
    %swap3A_78 = arith.constant 0 : index
    %swap3A_79 = vector.load %arg11[%swap3A, %swap3A_78] : memref<256x768xf32, #tpu.memory_space<vmem>>, vector<256x768xf32>
    tpu.vector_store %arg11[%swap3A, %swap3A_78], %add3A_77 {strides = array<i32>} : memref<256x768xf32, #tpu.memory_space<vmem>>, vector<256x768xf32>,
    %convert_element_type3A_80 = arith.truncf %add3A_77 : vector<256x768xf32> to vector<256x768xbf16>
    %swap3A_81 = arith.constant 0 : index
    %swap3A_82 = arith.constant 0 : index
    %swap3A_83 = vector.load %arg12[%swap3A_81, %swap3A_82] : memref<256x768xbf16, #tpu.memory_space<vmem>>, vector<256x768xbf16>
    tpu.vector_store %arg12[%swap3A_81, %swap3A_82], %convert_element_type3A_80 {strides = array<i32>} : memref<256x768xbf16, #tpu.memory_space<vmem>>, vector<256x768xbf16>,
    return
  }
  func.func @transform_0(%arg0: i32) -> (i32, i32) {
    %c0_i32 = arith.constant 0 : i32
    %c0_i32_0 = arith.constant 0 : i32
    return %arg0, %c0_i32 : i32, i32
  }
  func.func @transform_1(%arg0: i32) -> (i32, i32) {
    %c0_i32 = arith.constant 0 : i32
    %c0_i32_0 = arith.constant 0 : i32
    return %arg0, %c0_i32 : i32, i32
  }
  func.func @transform_2(%arg0: i32) -> (i32, i32) {
    %c0_i32 = arith.constant 0 : i32
    %c0_i32_0 = arith.constant 0 : i32
    %c0_i32_1 = arith.constant 0 : i32
    return %c0_i32, %c0_i32_0 : i32, i32
  }
  func.func @transform_3(%arg0: i32) -> (i32, i32) {
    %c0_i32 = arith.constant 0 : i32
    %c0_i32_0 = arith.constant 0 : i32
    %c0_i32_1 = arith.constant 0 : i32
    return %c0_i32, %c0_i32_0 : i32, i32
  }
  func.func @transform_4(%arg0: i32) -> (i32, i32) {
    %c0_i32 = arith.constant 0 : i32
    %c0_i32_0 = arith.constant 0 : i32
    %c0_i32_1 = arith.constant 0 : i32
    return %c0_i32, %c0_i32_0 : i32, i32
  }
  func.func @transform_5(%arg0: i32) -> (i32, i32) {
    %c0_i32 = arith.constant 0 : i32
    %c0_i32_0 = arith.constant 0 : i32
    %c0_i32_1 = arith.constant 0 : i32
    return %c0_i32, %c0_i32_0 : i32, i32
  }
  func.func @transform_6(%arg0: i32) -> (i32, i32) {
    %c0_i32 = arith.constant 0 : i32
    %c0_i32_0 = arith.constant 0 : i32
    %c0_i32_1 = arith.constant 0 : i32
    return %c0_i32, %c0_i32_0 : i32, i32
  }
  func.func @transform_7(%arg0: i32) -> (i32, i32) {
    %c0_i32 = arith.constant 0 : i32
    %c0_i32_0 = arith.constant 0 : i32
    %c0_i32_1 = arith.constant 0 : i32
    return %c0_i32, %c0_i32_0 : i32, i32
  }
  func.func @transform_8(%arg0: i32) -> (i32, i32) {
    %c0_i32 = arith.constant 0 : i32
    %c0_i32_0 = arith.constant 0 : i32
    %c0_i32_1 = arith.constant 0 : i32
    return %c0_i32, %c0_i32_0 : i32, i32
  }
  func.func @transform_9(%arg0: i32) -> (i32, i32) {
    %c0_i32 = arith.constant 0 : i32
    %c0_i32_0 = arith.constant 0 : i32
    %c0_i32_1 = arith.constant 0 : i32
    return %c0_i32, %c0_i32_0 : i32, i32
  }
  func.func @transform_10(%arg0: i32) -> (i32, i32) {
    %c0_i32 = arith.constant 0 : i32
    %c0_i32_0 = arith.constant 0 : i32
    return %arg0, %c0_i32 : i32, i32
  }
  func.func @transform_11(%arg0: i32) -> (i32, i32) {
    %c0_i32 = arith.constant 0 : i32
    %c0_i32_0 = arith.constant 0 : i32
    return %arg0, %c0_i32 : i32, i32
  }
}

module attributes {stable_mosaic.version = 14 : i64} {
  func.func @_head_body(%arg0: i32, %arg1: memref<2048x768xbf16, #tpu.memory_space<vmem>>, %arg2: memref<1000x768xf32, #tpu.memory_space<vmem>>, %arg3: memref<1000x2048xf32, #tpu.memory_space<vmem>>) attributes {dimension_semantics = [#tpu.dimension_semantics<arbitrary>], iteration_bounds = array<i64: 100>, scalar_prefetch = 0 : i64, scratch_operands = 0 : i64, tpu.core_type = #tpu.core_type<tc>, window_params = [{pipeline_mode = #tpu.pipeline_mode<synchronous>, transform_indices = @transform_0, window_bounds = array<i64: 2048, 768>}, {transform_indices = @transform_1, window_bounds = array<i64: 1000, 768>}, {transform_indices = @transform_2, window_bounds = array<i64: 1000, 2048>}]} {
    %get3A = arith.constant 0 : index
    %get3A_0 = arith.constant 0 : index
    %get3A_1 = vector.load %arg2[%get3A, %get3A_0] : memref<1000x768xf32, #tpu.memory_space<vmem>>, vector<1000x768xf32>
    %convert_element_type3A = arith.truncf %get3A_1 : vector<1000x768xf32> to vector<1000x768xbf16>
    %get3A_2 = arith.constant 0 : index
    %get3A_3 = arith.constant 0 : index
    %get3A_4 = vector.load %arg1[%get3A_2, %get3A_3] : memref<2048x768xbf16, #tpu.memory_space<vmem>>, vector<2048x768xbf16>
    %dot_general3A = arith.constant dense<0.000000e+00> : vector<1000x2048xf32>
    %dot_general3A_5 = tpu.matmul %convert_element_type3A, %get3A_4, %dot_general3A {dimension_numbers = #tpu.dot_dimension_numbers<[1], [1], [0], [0], [0, 0, 1, 0], [], []>, transpose_lhs_hint = false} : vector<1000x768xbf16>, vector<2048x768xbf16>, vector<1000x2048xf32> -> vector<1000x2048xf32>
    %swap3A = arith.constant 0 : index
    %swap3A_6 = arith.constant 0 : index
    %swap3A_7 = vector.load %arg3[%swap3A, %swap3A_6] : memref<1000x2048xf32, #tpu.memory_space<vmem>>, vector<1000x2048xf32>
    tpu.vector_store %arg3[%swap3A, %swap3A_6], %dot_general3A_5 {strides = array<i32>} : memref<1000x2048xf32, #tpu.memory_space<vmem>>, vector<1000x2048xf32>,
    return
  }
  func.func @transform_0(%arg0: i32) -> (i32, i32) {
    %c0_i32 = arith.constant 0 : i32
    %c0_i32_0 = arith.constant 0 : i32
    %c0_i32_1 = arith.constant 0 : i32
    return %c0_i32, %c0_i32_0 : i32, i32
  }
  func.func @transform_1(%arg0: i32) -> (i32, i32) {
    %c0_i32 = arith.constant 0 : i32
    %c0_i32_0 = arith.constant 0 : i32
    return %arg0, %c0_i32 : i32, i32
  }
  func.func @transform_2(%arg0: i32) -> (i32, i32) {
    %c0_i32 = arith.constant 0 : i32
    %c0_i32_0 = arith.constant 0 : i32
    return %arg0, %c0_i32 : i32, i32
  }
}

</mosaic_0001>

<sc_bundles>
// kernel: kernel.10.cloned.1.call-start
scs
__scs_entry_jumppad:
0x0: {  	(pc) =	sbr.rel $0x88, $3  }
0x1: {  	(tag) =	ssettag $0x0;
	lr =	simm.s32 $0x1  }
0x2: {  	[smem:$0x3F92] =	sst lr;
	_ =	strace $0xD0000000  }
0x3: {  	_ = 	snop  }
0x4: {  	_ = 	snop  }
0x5: {  	_ = 	snop  }
0x6: {  	_ = 	snop  }
0x7: {  	_ = 	snop  }
__scs_overlays_trampoline_lowered:
0x8: {  	[smem:$0x3FA1] =	sst s0  }
0x9: {  	[smem:$0x3FA2] =	sst s1  }
0xa: {  	[smem:$0x3FA3] =	sst s2  }
0xb: {  	[smem:$0x3FA4] =	sst s3  }
0xc: {  	[smem:$0x3FA5] =	sst s4  }
0xd: {  	[smem:$0x3FA6] =	sst s5  }
0xe: {  	[smem:$0x3FA7] =	sst s6  }
0xf: {  	[smem:$0x3FA8] =	sst s7  }
0x10: {  	[smem:$0x3FA9] =	sst s8  }
0x11: {  	[smem:$0x3FAA] =	sst s9;
	s0 =	simm.s32 @!p0 $0x0  }
0x12: {  	s1 =	sld [smem:$0x3F90];
	s0 =	simm.s32 @p0 $0x1  }
0x13: {  	[smem:$0x3FAB] =	sst s0;
	s0 =	simm.s32 @!p1 $0x0  }
0x14: {  	s2 =	sld [smem:$0x3F8F];
	s0 =	simm.s32 @p1 $0x1  }
0x15: {  	[smem:$0x3FAC] =	sst s0;
	s0 =	simm.s32 @!p2 $0x0  }
0x16: {  	s3 =	sld [smem:$0x3FDB];
	s0 =	simm.s32 @p2 $0x1  }
0x17: {  	s4 =	simm.s32 $0x1BF5;
	[smem:$0x3FAE] =	sst s0  }
0x18: {  	s0 =	sld [smem:$0x3F91];
	_ =	swait.ge [sflag:s4], $0x0  }
0x19: {  	s7 =	sld [smem:$0x3F92]  }
0x1a: {  	s8 =	sadd.s32 $0xFFFFE003, lr  }
0x1b: {  	s9 =	sadd.s32 $0xFFFFFEF7, lr;
	s5 =	simm.s32 $0xFFFFFFFF;
	p2 =	slt.u32 s8, $0xFFFFF086  }
0x1c: {  	p1 =	slt.u32 s9, $0xF7A;
	s5 =	simm.s32 @!p2 $0x0  }
0x1d: {  	s5 =	simm.s32 @p1 $0x1;
	p0 =	seq.s32 s7, s2  }
0x1e: {  	s7 =	smul.u32 @!p0 $0xF7A, s2;
	p2 =	seq.s32 @!p0 s5, $0x0  }
0x1f: {  	s9 =	smul.u32 $0xF7A, s1;
	s8 =	simm.s32 @!p0 $0x1BF5;
	p2 =	por !p2, p0  }
0x20: {  	[sflag:s8] =	ssyncset.s32 @!p0 $0xFFFFF086;
	s6 =	sadd.s32 @!p0 s3, s7;
	s7 =	simm.s32 @!p0 $0x108  }
0x21: {  	s3 =	sadd.s32 s3, s9;
	s6 =	sadd.s32 @!p0 $0x88, s6;
	s7 =	simm.s32 @p2 $0x1082  }
0x22: {  	[simem:s7], [sflag:s8] =	dma.local @!p0 [hbm:s6], $0xF7A  }
0x23: {  	s9 =	sor.u32 $0xD0000000, s2;
	s6 =	simm.s32 $0x108;
	_ =	swait.ge @!p0 [sflag:s8], $0x0  }
0x24: {  	s3 =	sadd.s32 $0x88, s3;
	s6 =	simm.s32 @!p1 $0x1082;
	[sflag:s4] =	ssyncset.s32 $0xFFFFF086  }
0x25: {  	[simem:s6], [sflag:s4] =	dma.local [hbm:s3], $0xF7A  }
0x26: {  	[smem:$0x3F92] =	sst s1;
	(tag) =	ssettag s2;
	_ =	strace s9  }
0x27: {  	s1 =	sld [smem:$0x3FA2]  }
0x28: {  	s2 =	sld [smem:$0x3FA3]  }
0x29: {  	s4 =	sld [smem:$0x3FA5]  }
0x2a: {  	p0 =	seq.s32 s5, $0x0;
	s5 =	sld [smem:$0x3FA6]  }
0x2b: {  	s6 =	sld [smem:$0x3FA7]  }
0x2c: {  	s7 =	sld [smem:$0x3FA8]  }
0x2d: {  	s3 =	simm.s32 $0x108;
	s8 =	sld [smem:$0x3FA9]  }
0x2e: {  	s3 =	simm.s32 @!p0 $0x1082;
	s9 =	sld [smem:$0x3FAA]  }
0x2f: {  	lr =	sadd.s32 s0, s3;
	s0 =	sld [smem:$0x3FA1]  }
0x30: {  	s3 =	sld [smem:$0x3FA4]  }
0x31: {  	[smem:$0x3FAD] =	sst s10  }
0x32: {  	s10 =	sld [smem:$0x3FAB];
	_ =	sdelay $0x3  }
0x33: {  	p0 =	seq.s32 s10, $0x1;
	s10 =	sld [smem:$0x3FAD];
	_ =	sdelay $0x3  }
0x34: {  	[smem:$0x3FAD] =	sst s10  }
0x35: {  	s10 =	sld [smem:$0x3FAC];
	_ =	sdelay $0x3  }
0x36: {  	p1 =	seq.s32 s10, $0x1;
	s10 =	sld [smem:$0x3FAD];
	_ =	sdelay $0x3  }
0x37: {  	[smem:$0x3FAD] =	sst s10  }
0x38: {  	s10 =	sld [smem:$0x3FAE]  }
0x39: {  	_ = 	snop;
	(pc) =	sbr.ind lr, $3  }
0x3a: {  	_ = 	snop  }
0x3b: {  	_ = 	snop  }
0x3c: {  	p2 =	seq.s32 s10, $0x1;
	s10 =	sld [smem:$0x3FAD]  }
0x3d: {  	_ =	shalt  }
0x3e: {  	_ =	shalt  }
0x3f: {  	_ =	shalt  }
0x40: {  	_ =	shalt  }
0x41: {  	_ =	shalt  }
0x42: {  	_ =	shalt  }
0x43: {  	_ =	shalt  }
0x44: {  	_ =	shalt  }
0x45: {  	_ =	shalt  }
0x46: {  	_ =	shalt  }
0x47: {  	_ =	shalt  }
0x48: {  	_ =	shalt  }
0x49: {  	_ =	shalt  }
0x4a: {  	_ =	shalt  }
0x4b: {  	_ =	shalt  }
0x4c: {  	_ =	shalt  }
0x4d: {  	_ =	shalt  }
0x4e: {  	_ =	shalt  }
0x4f: {  	_ =	shalt  }
0x50: {  	_ =	shalt  }
0x51: {  	_ =	shalt  }
0x52: {  	_ =	shalt  }
0x53: {  	_ =	shalt  }
0x54: {  	_ =	shalt  }
0x55: {  	_ =	shalt  }
0x56: {  	_ =	shalt  }
0x57: {  	_ =	shalt  }
0x58: {  	_ =	shalt  }
0x59: {  	_ =	shalt  }
0x5a: {  	_ =	shalt  }
0x5b: {  	_ =	shalt  }
0x5c: {  	_ =	shalt  }
0x5d: {  	_ =	shalt  }
0x5e: {  	_ =	shalt  }
0x5f: {  	_ =	shalt  }
0x60: {  	_ =	shalt  }
0x61: {  	_ =	shalt  }
0x62: {  	_ =	shalt  }
0x63: {  	_ =	shalt  }
0x64: {  	_ =	shalt  }
0x65: {  	_ =	shalt  }
0x66: {  	_ =	shalt  }
0x67: {  	_ =	shalt  }
0x68: {  	_ =	shalt  }
0x69: {  	_ =	shalt  }
0x6a: {  	_ =	shalt  }
0x6b: {  	_ =	shalt  }
0x6c: {  	_ =	shalt  }
0x6d: {  	_ =	shalt  }
0x6e: {  	_ =	shalt  }
0x6f: {  	_ =	shalt  }
0x70: {  	_ =	shalt  }
0x71: {  	_ =	shalt  }
0x72: {  	_ =	shalt  }
0x73: {  	_ =	shalt  }
0x74: {  	_ =	shalt  }
0x75: {  	_ =	shalt  }
0x76: {  	_ =	shalt  }
0x77: {  	_ =	shalt  }
0x78: {  	_ =	shalt  }
0x79: {  	_ =	shalt  }
0x7a: {  	_ =	shalt  }
0x7b: {  	_ =	shalt  }
0x7c: {  	_ =	shalt  }
0x7d: {  	_ =	shalt  }
0x7e: {  	_ =	shalt  }
0x7f: {  	_ =	shalt  }
0x80: {  	_ =	shalt  }
0x81: {  	_ =	shalt  }
0x82: {  	_ =	shalt  }
0x83: {  	_ =	shalt  }
0x84: {  	_ =	shalt  }
0x85: {  	_ =	shalt  }
0x86: {  	_ =	shalt  }
0x87: {  	_ =	shalt  }
.Lfunc_end0:
.L_simem_size_0:
called_computation_lowered:
.L_overlay_start_0:
0x88: {  	s2 =	sld [smem:$0x3FD9]  }
0x89: {  	s3 =	sld [smem:$0x3FFE];
	_ =	sdelay $0x1  }
0x8a: {  	s1 =	srdreg.scid  }
0x8b: {  	s0 =	sand.u32 $0x1, s1  }
0x8c: {  	s17 =	sshll.u32 s0, $0xA;
	s2 =	sadd.s32 s3, s2  }
0x8d: {  	s2 =	sadd.s32 s2, s17  }
0x8e: {  	[smem:$0x3FB9] =	sst s2  }
0x8f: {  	_ = 	snop  }
0x90: {  	s2 =	sld [smem:$0x3FC9]  }
0x91: {  	s18 =	sld [smem:$0x3FC8];
	(tm) =	ssettm $0x1  }
0x92: {  	s4 =	sld [smem:$0x3FFB];
	_ =	sdelay $0x3  }
0x93: {  	_ =	strace s4  }
0x94: {  	s4 =	sld [smem:$0x3FFC];
	_ =	sdelay $0x3  }
0x95: {  	_ =	strace s4  }
0x96: {  	s4 =	sld [smem:$0x3FFD];
	_ =	sdelay $0x3  }
0x97: {  	_ =	strace s4  }
0x98: {  	_ =	strace $0x8FFFFFFF  }
0x99: {  	s19 =	sld [smem:$0x3FDB];
	_ =	sdelay $0x1  }
0x9a: {  	s5 =	simm.s32 $_scs_section_size  }
0x9b: {  	s6 =	simm.s32 $_size__tile_overlayer_lowered;
	s7 =	simm.s32 $_tile_overlayer_lowered  }
0x9c: {  	s22 =	simm.s32 $0x1BFF;
	s21 =	sshll.u32 s7, $0x1;
	s4 =	sadd.s32 s5, s19  }
0x9d: {  	s8 =	simm.s32 $0x0;
	s20 =	sshll.u32 s6, $0x1;
	s6 =	sadd.s32 s21, s4  }
0x9e: {  	[timem:s8], [sflag:s22] =	dma.local [hbm:s6], s20  }
0x9f: {  	_ =	swait.ge [sflag:s22], s20  }
0xa0: {  	s5 =	ssub.s32 $0x0, s20;
	[sflag:s22] =	ssyncset.done $0x0  }
0xa1: {  	[sflag:s22] =	ssyncadd.s32 s5;
	_ =	sdelay $0x1  }
0xa2: {  	s23 =	simm.s32 $0x1B8B  }
0xa3: {  	_ =	swait.ge [sflag:s23], $0x1  }
0xa4: {  	[sflag:s23] =	ssyncset.done $0x0  }
0xa5: {  	s25 =	simm.s32 $0x1B8E;
	s24 =	sld [smem:$0x3FFE];
	[sflag:s23] =	ssyncadd.s32 $0xFFFFFFFF  }
0xa6: {  	s26 =	simm.s32 $execute0_lowered;
	[smem:$0x3FD2] =	sst s25  }
0xa7: {  	s6 =	sshll.u32 s26, $0x1;
	_ =	strace $0x80000046;
	[dreg:$0x1] =	wrdreg $0xFFFFFFFF  }
0xa8: {  	s28 =	simm.s32 $_size_execute0_lowered;
	s4 =	sadd.s32 s4, s6;
	[dreg:$0x0] =	wrdreg $0x0  }
0xa9: {  	s6 =	sshll.u32 s28, $0x1;
	[dreg:$0x2] =	wrdreg s4  }
0xaa: {  	[dreg:$0x3] =	wrdreg s6  }
0xab: {  	[dreg:$0x4] =	wrdreg $0xC0  }
0xac: {  	_ =	task [dreg:s8], $0x5FFFF  }
0xad: {  	[dreg:$0x1] =	wrdreg $0xFFFFFFFF  }
0xae: {  	[dreg:$0x0] =	wrdreg $0x60  }
0xaf: {  	[dreg:$0x2] =	wrdreg s18  }
0xb0: {  	[dreg:$0x3] =	wrdreg s2  }
0xb1: {  	[dreg:$0x4] =	wrdreg s24  }
0xb2: {  	[dreg:$0x5] =	wrdreg $0x9  }
0xb3: {  	_ =	task.clear_ibuf [dreg:s8], $0x6FFFF;
	_ =	strace $0x90000046  }
0xb4: {  	s29 =	simm.s32 $0x9;
	_ =	strace $0x80000048  }
0xb5: {  	_ =	swait.ge [sflag:s29], $0x1  }
0xb6: {  	[sflag:s29] =	ssyncadd.s32 $0xFFFFFFFF  }
0xb7: {  	_ =	strace $0x90000048  }
0xb8: {  	_ =	sfence  }
0xb9: {  	s30 =	sld [smem:$0x0];
	_ =	sdelay $0x2  }
0xba: {  	s31 =	sshll.u32 s1, $0xD;
	s1 =	sshrl.u32 s1, $0x2  }
0xbb: {  	s3 =	sand.u32 $0x4000, s31;
	s1 =	sadd.s32 s1, s30  }
0xbc: {  	s0 =	sor.u32 s3, s0;
	s1 =	sshll.u32 s1, $0x11  }
0xbd: {  	s0 =	sor.u32 s1, s0  }
0xbe: {  	s0 =	sadd.s32 $0x8F2B, s0  }
0xbf: {  	[sflag:s0] =	ssyncadd.remote.s32 $0x1  }
0xc0: {  	_ =	sfence.sel $0xFFFF  }
0xc1: {  	[dreg:$0x0] =	wrdreg $0xFFFFFFFF;
	(pc) =	sbr.abs _section_cstart, $3  }
0xc2: {  	[dreg:$0x1] =	wrdreg $0xFFFFFFFF  }
0xc3: {  	_ =	task.clear_ibuf [dreg:s8], $0x2FFFF;
	_ =	strace $0x9FFFFFFF  }
0xc4: {  	(tm) =	ssettm $0x7FFFFFFF  }
0xc5: {  	_ =	shalt  }
tec
execute0_lowered:
.L_overlay_start_1:
0x0: {  	(tag) =	ssettag $0x1  }
0x1: {  	s1 =	rddreg [dreg:$0x0]  }
0x2: {  	s2 =	srdreg.scid;
	s4 =	rddreg [dreg:$0x1]  }
0x3: {  	s0 =	stileid.u32;
	s5 =	rddreg [dreg:$0x2];
	s3 =	simm.s32 $0x0  }
0x4: {  	s26 =	simm.s32 $0x880;
	s9 =	simm.s32 $0x1080;
	s10 =	simm.s32 $0x1880  }
0x5: {  	s11 =	simm.s32 $0x2080;
	s12 =	simm.s32 $0x2880;
	s13 =	simm.s32 $0x3080  }
0x6: {  	s14 =	simm.s32 $0x3880;
	s15 =	simm.s32 $0x4080;
	s16 =	simm.s32 $0x4880  }
0x7: {  	s17 =	simm.s32 $0x5080;
	s18 =	simm.s32 $0x5880;
	s19 =	simm.s32 $0x6080  }
0x8: {  	s20 =	simm.s32 $0x6880;
	s21 =	simm.s32 $0x7080;
	s22 =	simm.s32 $0x7880  }
0x9: {  	s23 =	simm.s32 $0x8080;
	s24 =	simm.s32 $0x8880;
	s28 =	simm.s32 $0xA080  }
0xa: {  	s29 =	simm.s32 $0xA880;
	s30 =	simm.s32 $0xB080;
	s31 =	simm.s32 $0xB880  }
0xb: {  	s2 =	sand.u32 $0x1, s2;
	s6 =	sshll.u32 s0, $0x4;
	[smem:$0x7FF] =	sst s3  }
0xc: {  	s7 =	sshll.u32 s2, $0x3;
	s2 =	ssub.s32 $0x2, s2;
	_ =	strace $0x80000047  }
0xd: {  	[dreg:$0x6] =	wrdreg s26;
	s26 =	simm.s32 $0x9880;
	s6 =	sor.u32 s7, s6  }
0xe: {  	s8 =	sshrl.u32 s2, $0x1;
	s7 =	smul.u32 $0x300, s6;
	s4 =	sadd.s32 s4, s6  }
0xf: {  	s2 =	ssub.s32 s2, s8;
	s8 =	simm.s32 $0x80;
	[dreg:$0x4] =	wrdreg s4  }
0x10: {  	v2 =	vlaneseq.u32;
	s4 =	sadd.s32 $0x100, s1;
	s6 =	smax.u32 s2, $0x1;
	s5 =	sadd.s32 s7, s5  }
0x11: {  	vm0 =	vmmov $0xffff;
	v1 =	vshrl.u32 v2, $0x3;
	s2 =	simm.s32 $0x1;
	s7 =	simm.s32 $0x2;
	s25 =	sadd.s32 $0x3A00, s5  }
0x12: {  	v0 =	vand.u32 $0x7, v2;
	v2 =	vor.u32 $0x8, v2;
	v1 =	vmul.u32 $0x8, v1;
	s5 =	sadd.s32 $0x200, s1;
	[dreg:$0x5] =	wrdreg s25;
	s25 =	simm.s32 $0x9080  }
.LBB2_1:
0x13: {  	s0 =	rddreg [dreg:$0x4]  }
0x14: {  	[tilespmem:s3], [sflag:$0x2] =	stream.linear.gather [hbm4b:s0+s3], $0x40, $0x38;
	[tilespmem:$0xC080] =	vst v63  }
0x15: {  	_ =	swait.ge [sflag:s7], $0x40  }
0x16: {  	[sflag:s7] =	ssyncset.done $0x0  }
0x17: {  	[sflag:s7] =	ssyncadd.s32 $0xFFFFFFC0  }
0x18: {  	v3 =	vld [tilespmem:$0x0];
	_ =	sdelay $0x4  }
0x19: {  	v4 =	vshrl.u32 v3, $0x3  }
0x1a: {  	v4 =	vmul.u32 $0x30, v4  }
0x1b: {  	v3 =	vand.u32 $0x7, v3  }
0x1c: {  	v3 =	vor.u32 v3, v4  }
0x1d: {  	v4 =	vperm.xlane v3, v0;
	_ =	sdelay $0x1  }
0x1e: {  	v4 =	vadd.s32 v1, v4;
	_ =	sdelay $0x3  }
0x1f: {  	v3 =	vperm.xlane v3, v2  }
0x20: {  	[tilespmem:s8], [sflag:$0x1] =	stream.indirect_vreg.gather [hbm4b:s1+s3], $0x80, v4, vm0, $0xb8;
	[tilespmem:$0xC080] =	vst v63  }
0x21: {  	s0 =	rddreg [dreg:$0x6];
	v3 =	vadd.s32 v1, v3  }
0x22: {  	[tilespmem:s0], [sflag:$0x1] =	stream.indirect_vreg.gather [hbm4b:s4+s3], $0x80, v4, vm0, $0xb8;
	[tilespmem:$0xC080] =	vst v63  }
0x23: {  	_ = 	snop  }
0x24: {  	[tilespmem:s9], [sflag:$0x1] =	stream.indirect_vreg.gather [hbm4b:s5+s3], $0x80, v4, vm0, $0xb8;
	[tilespmem:$0xC080] =	vst v63  }
0x25: {  	_ = 	snop  }
0x26: {  	[tilespmem:s10], [sflag:$0x1] =	stream.indirect_vreg.gather [hbm4b:s1+s3], $0x80, v3, vm0, $0xb8;
	[tilespmem:$0xC080] =	vst v63  }
0x27: {  	_ = 	snop  }
0x28: {  	[tilespmem:s11], [sflag:$0x1] =	stream.indirect_vreg.gather [hbm4b:s4+s3], $0x80, v3, vm0, $0xb8;
	[tilespmem:$0xC080] =	vst v63  }
0x29: {  	_ = 	snop  }
0x2a: {  	[tilespmem:s12], [sflag:$0x1] =	stream.indirect_vreg.gather [hbm4b:s5+s3], $0x80, v3, vm0, $0xb8;
	[tilespmem:$0xC080] =	vst v63  }
0x2b: {  	v3 =	vld [tilespmem:$0x10];
	_ =	sdelay $0x4  }
0x2c: {  	v61 =	vshrl.u32 v3, $0x3  }
0x2d: {  	v4 =	vmul.u32 $0x30, v61  }
0x2e: {  	v3 =	vand.u32 $0x7, v3  }
0x2f: {  	v3 =	vor.u32 v3, v4  }
0x30: {  	v4 =	vperm.xlane v3, v0;
	_ =	sdelay $0x1  }
0x31: {  	v4 =	vadd.s32 v1, v4;
	_ =	sdelay $0x3  }
0x32: {  	v3 =	vperm.xlane v3, v2  }
0x33: {  	[tilespmem:s13], [sflag:$0x1] =	stream.indirect_vreg.gather [hbm4b:s1+s3], $0x80, v4, vm0, $0xb8;
	[tilespmem:$0xC080] =	vst v63  }
0x34: {  	v3 =	vadd.s32 v1, v3  }
0x35: {  	[tilespmem:s14], [sflag:$0x1] =	stream.indirect_vreg.gather [hbm4b:s4+s3], $0x80, v4, vm0, $0xb8;
	[tilespmem:$0xC080] =	vst v63  }
0x36: {  	_ = 	snop  }
0x37: {  	[tilespmem:s15], [sflag:$0x1] =	stream.indirect_vreg.gather [hbm4b:s5+s3], $0x80, v4, vm0, $0xb8;
	[tilespmem:$0xC080] =	vst v63  }
0x38: {  	_ = 	snop  }
0x39: {  	[tilespmem:s16], [sflag:$0x1] =	stream.indirect_vreg.gather [hbm4b:s1+s3], $0x80, v3, vm0, $0xb8;
	[tilespmem:$0xC080] =	vst v63  }
0x3a: {  	_ = 	snop  }
0x3b: {  	[tilespmem:s17], [sflag:$0x1] =	stream.indirect_vreg.gather [hbm4b:s4+s3], $0x80, v3, vm0, $0xb8;
	[tilespmem:$0xC080] =	vst v63  }
0x3c: {  	_ = 	snop  }
0x3d: {  	[tilespmem:s18], [sflag:$0x1] =	stream.indirect_vreg.gather [hbm4b:s5+s3], $0x80, v3, vm0, $0xb8;
	[tilespmem:$0xC080] =	vst v63  }
0x3e: {  	v3 =	vld [tilespmem:$0x20];
	_ =	sdelay $0x4  }
0x3f: {  	v62 =	vshrl.u32 v3, $0x3  }
0x40: {  	v4 =	vmul.u32 $0x30, v62  }
0x41: {  	v3 =	vand.u32 $0x7, v3  }
0x42: {  	v3 =	vor.u32 v3, v4  }
0x43: {  	v4 =	vperm.xlane v3, v0;
	_ =	sdelay $0x1  }
0x44: {  	v4 =	vadd.s32 v1, v4;
	_ =	sdelay $0x3  }
0x45: {  	v3 =	vperm.xlane v3, v2  }
0x46: {  	[tilespmem:s19], [sflag:$0x1] =	stream.indirect_vreg.gather [hbm4b:s1+s3], $0x80, v4, vm0, $0xb8;
	[tilespmem:$0xC080] =	vst v63  }
0x47: {  	v3 =	vadd.s32 v1, v3  }
0x48: {  	[tilespmem:s20], [sflag:$0x1] =	stream.indirect_vreg.gather [hbm4b:s4+s3], $0x80, v4, vm0, $0xb8;
	[tilespmem:$0xC080] =	vst v63  }
0x49: {  	_ = 	snop  }
0x4a: {  	[tilespmem:s21], [sflag:$0x1] =	stream.indirect_vreg.gather [hbm4b:s5+s3], $0x80, v4, vm0, $0xb8;
	[tilespmem:$0xC080] =	vst v63  }
0x4b: {  	_ = 	snop  }
0x4c: {  	[tilespmem:s22], [sflag:$0x1] =	stream.indirect_vreg.gather [hbm4b:s1+s3], $0x80, v3, vm0, $0xb8;
	[tilespmem:$0xC080] =	vst v63  }
0x4d: {  	_ = 	snop  }
0x4e: {  	[tilespmem:s23], [sflag:$0x1] =	stream.indirect_vreg.gather [hbm4b:s4+s3], $0x80, v3, vm0, $0xb8;
	[tilespmem:$0xC080] =	vst v63  }
0x4f: {  	_ = 	snop  }
0x50: {  	[tilespmem:s24], [sflag:$0x1] =	stream.indirect_vreg.gather [hbm4b:s5+s3], $0x80, v3, vm0, $0xb8;
	[tilespmem:$0xC080] =	vst v63  }
0x51: {  	v3 =	vld [tilespmem:$0x30];
	_ =	sdelay $0x4  }
0x52: {  	v63 =	vshrl.u32 v3, $0x3  }
0x53: {  	v4 =	vmul.u32 $0x30, v63  }
0x54: {  	v3 =	vand.u32 $0x7, v3  }
0x55: {  	v3 =	vor.u32 v3, v4  }
0x56: {  	v4 =	vperm.xlane v3, v0;
	_ =	sdelay $0x1  }
0x57: {  	v4 =	vadd.s32 v1, v4;
	_ =	sdelay $0x3  }
0x58: {  	v3 =	vperm.xlane v3, v2  }
0x59: {  	[tilespmem:s25], [sflag:$0x1] =	stream.indirect_vreg.gather [hbm4b:s1+s3], $0x80, v4, vm0, $0xb8;
	[tilespmem:$0xC080] =	vst v63  }
0x5a: {  	v3 =	vadd.s32 v1, v3  }
0x5b: {  	[tilespmem:s26], [sflag:$0x1] =	stream.indirect_vreg.gather [hbm4b:s4+s3], $0x80, v4, vm0, $0xb8;
	[tilespmem:$0xC080] =	vst v63  }
0x5c: {  	_ = 	snop  }
0x5d: {  	[tilespmem:s28], [sflag:$0x1] =	stream.indirect_vreg.gather [hbm4b:s5+s3], $0x80, v4, vm0, $0xb8;
	[tilespmem:$0xC080] =	vst v63  }
0x5e: {  	_ = 	snop  }
0x5f: {  	[tilespmem:s29], [sflag:$0x1] =	stream.indirect_vreg.gather [hbm4b:s1+s3], $0x80, v3, vm0, $0xb8;
	[tilespmem:$0xC080] =	vst v63  }
0x60: {  	_ = 	snop  }
0x61: {  	[tilespmem:s30], [sflag:$0x1] =	stream.indirect_vreg.gather [hbm4b:s4+s3], $0x80, v3, vm0, $0xb8;
	[tilespmem:$0xC080] =	vst v63  }
0x62: {  	_ = 	snop  }
0x63: {  	[tilespmem:s31], [sflag:$0x1] =	stream.indirect_vreg.gather [hbm4b:s5+s3], $0x80, v3, vm0, $0xb8;
	[tilespmem:$0xC080] =	vst v63  }
0x64: {  	_ =	swait.ge [sflag:s2], $0xC000  }
0x65: {  	p0 =	sne.s32 s6, $0x1;
	[sflag:s2] =	ssyncset.done $0x0  }
.Ltmp0:
0x66: {  	s0 =	rddreg [dreg:$0x5];
	[sflag:s2] =	ssyncadd.s32 $0xFFFF4000;
	(pc) =	sbr.rel @p0 .LBB2_1-.Ltmp0, $4  }
0x67: {  	[hbm4b:s0+s3] =	stream.linear.scatter [tilespmem:s8], [sflag:$0x2], $0xC000, $0x38;
	[tilespmem:$0xC080] =	vst v63  }
0x68: {  	_ =	swait.ge [sflag:s7], $0xC000  }
0x69: {  	[sflag:s7] =	ssyncset.done $0x0  }
0x6a: {  	s6 =	sadd.s32 $0xFFFFFFFF, s6;
	[sflag:s7] =	ssyncadd.s32 $0xFFFF4000  }
0x6b: {  	_ =	sfence.sel $0x180000  }
0x6c: {  	[bflag:$0x0] =	sbarrier.arrive $0xFFFF  }
0x6d: {  	_ =	strace $0x90000047  }
0x6e: {  	s0 =	stileid.u32;
	[bflag:$0x2] =	sbarrier.arrive $0xFFFF  }
0x6f: {  	p0 =	sne.s32 s0, $0x0;
	s0 =	rddreg [dreg:$0x3]  }
0x70: {  	s0 =	sadd.s32 @!p0 $0x100000, s0  }
0x71: {  	[sflag:s0] =	ssyncadd.tile.s32 @!p0 $0x1;
	_ =	shalt  }
.Lfunc_end2:
_tile_overlayer_lowered:
.L_overlay_start_2:
0x72: {  	(tag) =	ssettag $0x2  }
0x73: {  	s0 =	rddreg [dreg:$0x0];
	s2 =	stileid.u32  }
0x74: {  	s1 =	rddreg [dreg:$0x1];
	p0 =	sne.s32 s2, $0x0  }
0x75: {  	s3 =	rddreg [dreg:$0x2];
	[bflag:$0x3] =	sbarrier.arrive $0xFFFF;
	s2 =	simm.s32 @!p0 $0x1C02  }
0x76: {  	[timem:s3], [sflag:s2] =	dma.local @!p0 [hbm:s0], s1  }
0x77: {  	s0 =	simm.s32 @!p0 $0x2  }
0x78: {  	_ =	swait.ge @!p0 [sflag:s0], s1  }
0x79: {  	s1 =	ssub.s32 @!p0 $0x0, s1;
	[sflag:s0] =	ssyncset.done @!p0 $0x0  }
0x7a: {  	[sflag:s0] =	ssyncadd.s32 @!p0 s1  }
0x7b: {  	[bflag:$0x3] =	sbarrier.arrive $0xFFFF  }
0x7c: {  	_ =	shalt  }

</sc_bundles>
